<compile_context>
chip_gen: v7x
topology: tpu7x:2x2x1
jax: 0.10.2.dev20260603
libtpu: 0.0.44.dev20260713+nightly
codegen_flags: <defaults>
</compile_context>

<pallas_src>
import functools

import jax
import jax.numpy as jnp
from jax import lax
from jax.experimental import pallas as pl
from jax.experimental.pallas import tpu as pltpu
from jax.experimental.pallas import tpu_sc as plsc

_CHUNK_ROWS = (128, 384, 384, 128)
_CHUNK_OFF = (0, 128, 512, 896)
_CHUNK_BUF = (0, 1, 2, 0)


def _zero_patch(buf, nd, h0, w0):
    z = jnp.zeros((16,), jnp.float32)

    def body(i, carry):
        for j in range(nd):
            buf[j * 128 + h0 + i, pl.ds(w0, 16)] = z
            buf[j * 128 + h0 + i, pl.ds(w0 + 16, 16)] = z
        return carry

    lax.fori_loop(0, 32, body, 0)


def _sc_body(x_hbm, o_hbm, *scratch):
    bufs = scratch[:3]
    lsem = scratch[3:6]
    ssem = scratch[6:9]

    c = lax.axis_index("c")
    s = lax.axis_index("s")
    wid = c * 16 + s
    base = wid * 1024
    pdq = (wid // 4) % 4

    def start_load(k):
        b = _CHUNK_BUF[k]
        src = x_hbm.at[pl.ds(base + _CHUNK_OFF[k], _CHUNK_ROWS[k]), :]
        return pltpu.async_copy(src, bufs[b], lsem[b])

    loads = [start_load(k) for k in range(3)]
    stores = [None] * 4
    for k in range(4):
        loads[k].wait()
        b = _CHUNK_BUF[k]
        buf = bufs[b]
        nd = _CHUNK_ROWS[k] // 128

        @pl.when(pdq == 1)
        def _(buf=buf, nd=nd):
            _zero_patch(buf, nd, 64, 32)

        @pl.when(pdq == 2)
        def _(buf=buf, nd=nd):
            _zero_patch(buf, nd, 32, 64)
            _zero_patch(buf, nd, 64, 0)

        dst = o_hbm.at[pl.ds(base + _CHUNK_OFF[k], _CHUNK_ROWS[k]), :]
        stores[k] = pltpu.async_copy(buf, dst, ssem[b])
        if k == 0:
            stores[0].wait()
            loads.append(start_load(3))
    for k in range(1, 4):
        stores[k].wait()


def kernel(x):
    B = x.shape[0]
    nrows = B * 128 * 128
    x2 = x.reshape(nrows, 128)
    mesh = plsc.VectorSubcoreMesh(core_axis_name="c", subcore_axis_name="s")
    run = functools.partial(
        pl.kernel,
        mesh=mesh,
        out_type=jax.ShapeDtypeStruct((nrows, 128), jnp.float32),
        scratch_types=(
            [
                pltpu.VMEM((128, 128), jnp.float32),
                pltpu.VMEM((384, 128), jnp.float32),
                pltpu.VMEM((384, 128), jnp.float32),
            ]
            + [pltpu.SemaphoreType.DMA] * 6
        ),
    )(_sc_body)
    out = run(x2)
    return out.reshape(x.shape)

# --- scband reference (transcript-rebuilt; emitter-appended) ---
"""Pipeline reference for scband-hyper-random-patch-swap-76003741270475 (READ-ONLY COPY).

The authoritative reference and input builder live on the scoring server;
editing this copy changes nothing except your own understanding.
"""

import jax, jax.numpy as jnp
import numpy as np

KERNEL_EXP = 32
NB_SWAP = 4


def setup_inputs(seed: int = 0) -> dict:
    key = jax.random.key(seed)
    x = jax.random.normal(key, (2, 1, 128, 128, 128), dtype=jnp.float32)
    return {"x": x}


def _unfold_collapse(x, kernel):
    # x: [B, C, D, H, W] with spatial dims divisible by kernel
    B, C = x.shape[0], x.shape[1]
    p = [s // k for s, k in zip(x.shape[2:], kernel)]
    x = x.reshape(B, C, p[0], kernel[0], p[1], kernel[1], p[2], kernel[2])
    x = jnp.transpose(x, (0, 1, 2, 4, 6, 3, 5, 7))
    x = x.reshape(B, C, p[0] * p[1] * p[2], kernel[0], kernel[1], kernel[2])
    return x, p


def _fold_collapsed(x, p, kernel, pshape):
    B, C = x.shape[0], x.shape[1]
    x = x.reshape(B, C, p[0], p[1], p[2], kernel[0], kernel[1], kernel[2])
    x = jnp.transpose(x, (0, 1, 2, 5, 3, 6, 4, 7))
    return x.reshape(B, C, pshape[0], pshape[1], pshape[2])


def reference(x):
    # Deterministic stand-in for the random kernel-size draw: use the
    # distribution mean kernel_exp=32, clamped to [4, spatial_size].
    shape = tuple(int(s) for s in x.shape[2:])
    kernel = [int(np.clip(KERNEL_EXP, 4, s)) for s in shape]
    # pshape = s + (k - s % k)  (note: adds a full kernel when s % k == 0,
    # faithful to the original module)
    pshape = [s + (k - s % k) for s, k in zip(shape, kernel)]
    pad_cfg = [(0, 0), (0, 0)] + [(0, ps - s) for ps, s in zip(pshape, shape)]
    xp = jnp.pad(x, pad_cfg)
    xu, p = _unfold_collapse(xp, kernel)
    P = xu.shape[2]
    key = jax.random.key(42)
    for n in range(NB_SWAP):
        k = jax.random.fold_in(key, n)
        idx = jax.random.randint(k, (2,), 0, P - 1)
        i1 = idx[0]
        i2 = idx[1]
        a = xu[:, :, i1]
        b = xu[:, :, i2]
        xu = xu.at[:, :, i1].set(b)
        xu = xu.at[:, :, i2].set(a)
    xf = _fold_collapsed(xu, p, kernel, pshape)
    # ensure_shape back to original spatial extent (crop post-padding)
    return xf[:, :, : shape[0], : shape[1], : shape[2]]


if False:  # reference __main__ guard neutralized (emitter)
    out = reference(**setup_inputs())
    print(out.shape, out.dtype)

if __name__ == "__main__":
    import jax
    _d = setup_inputs()
    print(jax.jit(kernel)(*tuple(_d.values())))

</pallas_src>

<mosaic_0001>
#map = affine_map<(d0, d1) -> (0, 0)>
module attributes {stable_mosaic.version = 14 : i64} {
  func.func @_sc_body(%arg0: i32, %arg1: i32, %arg2: memref<32768x128xf32, #tpu.memory_space<hbm>>, %arg3: memref<32768x128xf32, #tpu.memory_space<hbm>>, %arg4: memref<128x128xf32, #tpu.memory_space<vmem>>, %arg5: memref<384x128xf32, #tpu.memory_space<vmem>>, %arg6: memref<384x128xf32, #tpu.memory_space<vmem>>, %arg7: memref<!tpu.dma_semaphore, #tpu.memory_space<semaphore_mem>>, %arg8: memref<!tpu.dma_semaphore, #tpu.memory_space<semaphore_mem>>, %arg9: memref<!tpu.dma_semaphore, #tpu.memory_space<semaphore_mem>>, %arg10: memref<!tpu.dma_semaphore, #tpu.memory_space<semaphore_mem>>, %arg11: memref<!tpu.dma_semaphore, #tpu.memory_space<semaphore_mem>>, %arg12: memref<!tpu.dma_semaphore, #tpu.memory_space<semaphore_mem>>) attributes {dimension_semantics = [#tpu.dimension_semantics<core_parallel>, #tpu.dimension_semantics<subcore_parallel>], iteration_bounds = array<i64: 2, 16>, scalar_prefetch = 0 : i64, scratch_operands = 9 : i64, tpu.core_type = #tpu.core_type<sc_vector_subcore>, window_params = [{transform_indices = #map}, {transform_indices = #map}]} {
    %mul3A = arith.constant 16 : i32
    %mul3A_0 = arith.muli %arg0, %mul3A : i32
    %add3A = arith.addi %mul3A_0, %arg1 : i32
    %mul3A_1 = arith.constant 1024 : i32
    %mul3A_2 = arith.muli %add3A, %mul3A_1 : i32
    %jit3A = arith.constant 4 : i32
    %div3A = arith.divsi %add3A, %jit3A : i32
    %sign3A = arith.constant 0 : i32
    %sign3A_3 = arith.cmpi sgt, %add3A, %sign3A : i32
    %sign3A_4 = arith.extui %sign3A_3 : i1 to i32
    %sign3A_5 = arith.constant 0 : i32
    %sign3A_6 = arith.cmpi slt, %add3A, %sign3A_5 : i32
    %sign3A_7 = arith.extui %sign3A_6 : i1 to i32
    %sign3A_8 = arith.subi %sign3A_4, %sign3A_7 : i32
    %sign3A_9 = arith.constant 0 : i32
    %sign3A_10 = arith.cmpi sgt, %jit3A, %sign3A_9 : i32
    %sign3A_11 = arith.extui %sign3A_10 : i1 to i32
    %sign3A_12 = arith.constant 0 : i32
    %sign3A_13 = arith.cmpi slt, %jit3A, %sign3A_12 : i32
    %sign3A_14 = arith.extui %sign3A_13 : i1 to i32
    %sign3A_15 = arith.subi %sign3A_11, %sign3A_14 : i32
    %ne3A = arith.cmpi ne, %sign3A_8, %sign3A_15 : i32
    %rem3A = arith.remsi %add3A, %jit3A : i32
    %ne3A_16 = arith.constant 0 : i32
    %ne3A_17 = arith.cmpi ne, %rem3A, %ne3A_16 : i32
    %and3A = arith.andi %ne3A, %ne3A_17 : i1
    %sub3A = arith.constant 1 : i32
    %sub3A_18 = arith.subi %div3A, %sub3A : i32
    %select_n3A = arith.select %and3A, %sub3A_18, %div3A : i32
    %jit3A_19 = arith.constant 4 : i32
    %eq3A = arith.constant 0 : i32
    %eq3A_20 = arith.cmpi eq, %jit3A_19, %eq3A : i32
    %jit3A_21 = arith.constant 1 : i32
    %select_n3A_22 = arith.select %eq3A_20, %jit3A_21, %jit3A_19 : i32
    %rem3A_23 = arith.remsi %select_n3A, %select_n3A_22 : i32
    %ne3A_24 = arith.constant 0 : i32
    %ne3A_25 = arith.cmpi ne, %rem3A_23, %ne3A_24 : i32
    %lt3A = arith.constant 0 : i32
    %lt3A_26 = arith.cmpi slt, %rem3A_23, %lt3A : i32
    %lt3A_27 = arith.constant 0 : i32
    %lt3A_28 = arith.cmpi slt, %select_n3A_22, %lt3A_27 : i32
    %ne3A_29 = arith.xori %lt3A_26, %lt3A_28 : i1
    %and3A_30 = arith.andi %ne3A_29, %ne3A_25 : i1
    %add3A_31 = arith.addi %rem3A_23, %select_n3A_22 : i32
    %select_n3A_32 = arith.select %and3A_30, %add3A_31, %rem3A_23 : i32
    %add3A_33 = arith.constant 0 : i32
    %add3A_34 = arith.addi %mul3A_2, %add3A_33 : i32
    %dma_start3A = arith.constant 0 : i32
    %dma_start3A_35 = tpu.memref_slice %arg2[%add3A_34, %dma_start3A] : memref<32768x128xf32, #tpu.memory_space<hbm>> -> memref<128x128xf32, #tpu.memory_space<hbm>>
    %dma_start3A_36 = arith.constant 0 : i32
    %dma_start3A_37 = tpu.memref_slice %arg2[%add3A_34, %dma_start3A_36] : memref<32768x128xf32, #tpu.memory_space<hbm>> -> memref<128x128xf32, #tpu.memory_space<hbm>>
    tpu.enqueue_dma source(%dma_start3A_37 : memref<128x128xf32, #tpu.memory_space<hbm>>) target(%arg4 : memref<128x128xf32, #tpu.memory_space<vmem>>) target_semaphore(%arg7 : memref<!tpu.dma_semaphore, #tpu.memory_space<semaphore_mem>>)
    %add3A_38 = arith.constant 128 : i32
    %add3A_39 = arith.addi %mul3A_2, %add3A_38 : i32
    %dma_start3A_40 = arith.constant 0 : i32
    %dma_start3A_41 = tpu.memref_slice %arg2[%add3A_39, %dma_start3A_40] : memref<32768x128xf32, #tpu.memory_space<hbm>> -> memref<384x128xf32, #tpu.memory_space<hbm>>
    %dma_start3A_42 = arith.constant 0 : i32
    %dma_start3A_43 = tpu.memref_slice %arg2[%add3A_39, %dma_start3A_42] : memref<32768x128xf32, #tpu.memory_space<hbm>> -> memref<384x128xf32, #tpu.memory_space<hbm>>
    tpu.enqueue_dma source(%dma_start3A_43 : memref<384x128xf32, #tpu.memory_space<hbm>>) target(%arg5 : memref<384x128xf32, #tpu.memory_space<vmem>>) target_semaphore(%arg8 : memref<!tpu.dma_semaphore, #tpu.memory_space<semaphore_mem>>)
    %add3A_44 = arith.constant 512 : i32
    %add3A_45 = arith.addi %mul3A_2, %add3A_44 : i32
    %dma_start3A_46 = arith.constant 0 : i32
    %dma_start3A_47 = tpu.memref_slice %arg2[%add3A_45, %dma_start3A_46] : memref<32768x128xf32, #tpu.memory_space<hbm>> -> memref<384x128xf32, #tpu.memory_space<hbm>>
    %dma_start3A_48 = arith.constant 0 : i32
    %dma_start3A_49 = tpu.memref_slice %arg2[%add3A_45, %dma_start3A_48] : memref<32768x128xf32, #tpu.memory_space<hbm>> -> memref<384x128xf32, #tpu.memory_space<hbm>>
    tpu.enqueue_dma source(%dma_start3A_49 : memref<384x128xf32, #tpu.memory_space<hbm>>) target(%arg6 : memref<384x128xf32, #tpu.memory_space<vmem>>) target_semaphore(%arg9 : memref<!tpu.dma_semaphore, #tpu.memory_space<semaphore_mem>>)
    %dma_wait3A = arith.constant 0 : i32
    %dma_wait3A_50 = tpu.memref_slice %arg2[%add3A_34, %dma_wait3A] : memref<32768x128xf32, #tpu.memory_space<hbm>> -> memref<128x128xf32, #tpu.memory_space<hbm>>
    %dma_wait3A_51 = arith.constant 0 : i32
    %dma_wait3A_52 = tpu.memref_slice %arg2[%add3A_34, %dma_wait3A_51] : memref<32768x128xf32, #tpu.memory_space<hbm>> -> memref<128x128xf32, #tpu.memory_space<hbm>>
    tpu.wait_dma2 semaphore(%arg7 : memref<!tpu.dma_semaphore, #tpu.memory_space<semaphore_mem>>) src(%dma_wait3A_52 : memref<128x128xf32, #tpu.memory_space<hbm>>) dst(%arg4 : memref<128x128xf32, #tpu.memory_space<vmem>>)
    %eq3A_53 = arith.constant 1 : i32
    %eq3A_54 = arith.cmpi eq, %select_n3A_32, %eq3A_53 : i32
    %convert_element_type3A = arith.extui %eq3A_54 : i1 to i32
    %cond3A = arith.constant 0 : i32
    %cond3A_55 = arith.cmpi ne, %convert_element_type3A, %cond3A : i32
    scf.if %cond3A_55 {
      %broadcast_in_dim3A = arith.constant 0.000000e+00 : f32
      %broadcast_in_dim3A_149 = vector.broadcast %broadcast_in_dim3A : f32 to vector<16xf32>
      %scan3A = arith.constant 0 : i32
      %scan3A_150 = arith.constant 0 : i32
      %scan3A_151 = arith.constant 32 : i32
      %scan3A_152 = arith.addi %scan3A_150, %scan3A_151 : i32
      %scan3A_153 = arith.constant 1 : i32
      scf.for %scan3A_155 = %scan3A_150 to %scan3A_152 step %scan3A_153  : i32 {
        %add3A_156 = arith.constant 64 : i32
        %add3A_157 = arith.addi %add3A_156, %scan3A_155 : i32
        %swap3A = arith.index_cast %add3A_157 : i32 to index
        %swap3A_158 = arith.constant 32 : index
        %swap3A_159 = tpu.vector_load %arg4[%swap3A, %swap3A_158] {strides = array<i32>} : memref<128x128xf32, #tpu.memory_space<vmem>>, vector<1x16xf32>,
        %swap3A_160 = vector.shape_cast %swap3A_159 : vector<1x16xf32> to vector<16xf32>
        %swap3A_161 = vector.shape_cast %broadcast_in_dim3A_149 : vector<16xf32> to vector<1x16xf32>
        tpu.vector_store %arg4[%swap3A, %swap3A_158], %swap3A_161 {strides = array<i32>} : memref<128x128xf32, #tpu.memory_space<vmem>>, vector<1x16xf32>,
        %add3A_162 = arith.constant 64 : i32
        %add3A_163 = arith.addi %add3A_162, %scan3A_155 : i32
        %swap3A_164 = arith.index_cast %add3A_163 : i32 to index
        %swap3A_165 = arith.constant 48 : index
        %swap3A_166 = tpu.vector_load %arg4[%swap3A_164, %swap3A_165] {strides = array<i32>} : memref<128x128xf32, #tpu.memory_space<vmem>>, vector<1x16xf32>,
        %swap3A_167 = vector.shape_cast %swap3A_166 : vector<1x16xf32> to vector<16xf32>
        %swap3A_168 = vector.shape_cast %broadcast_in_dim3A_149 : vector<16xf32> to vector<1x16xf32>
        tpu.vector_store %arg4[%swap3A_164, %swap3A_165], %swap3A_168 {strides = array<i32>} : memref<128x128xf32, #tpu.memory_space<vmem>>, vector<1x16xf32>,
      }
      %scan3A_154 = arith.constant 32 : i32
    } else {
    }
    %eq3A_56 = arith.constant 2 : i32
    %eq3A_57 = arith.cmpi eq, %select_n3A_32, %eq3A_56 : i32
    %convert_element_type3A_58 = arith.extui %eq3A_57 : i1 to i32
    %cond3A_59 = arith.constant 0 : i32
    %cond3A_60 = arith.cmpi ne, %convert_element_type3A_58, %cond3A_59 : i32
    scf.if %cond3A_60 {
      %broadcast_in_dim3A = arith.constant 0.000000e+00 : f32
      %broadcast_in_dim3A_149 = vector.broadcast %broadcast_in_dim3A : f32 to vector<16xf32>
      %scan3A = arith.constant 0 : i32
      %scan3A_150 = arith.constant 0 : i32
      %scan3A_151 = arith.constant 32 : i32
      %scan3A_152 = arith.addi %scan3A_150, %scan3A_151 : i32
      %scan3A_153 = arith.constant 1 : i32
      scf.for %scan3A_163 = %scan3A_150 to %scan3A_152 step %scan3A_153  : i32 {
        %add3A_164 = arith.constant 32 : i32
        %add3A_165 = arith.addi %add3A_164, %scan3A_163 : i32
        %swap3A = arith.index_cast %add3A_165 : i32 to index
        %swap3A_166 = arith.constant 64 : index
        %swap3A_167 = tpu.vector_load %arg4[%swap3A, %swap3A_166] {strides = array<i32>} : memref<128x128xf32, #tpu.memory_space<vmem>>, vector<1x16xf32>,
        %swap3A_168 = vector.shape_cast %swap3A_167 : vector<1x16xf32> to vector<16xf32>
        %swap3A_169 = vector.shape_cast %broadcast_in_dim3A_149 : vector<16xf32> to vector<1x16xf32>
        tpu.vector_store %arg4[%swap3A, %swap3A_166], %swap3A_169 {strides = array<i32>} : memref<128x128xf32, #tpu.memory_space<vmem>>, vector<1x16xf32>,
        %add3A_170 = arith.constant 32 : i32
        %add3A_171 = arith.addi %add3A_170, %scan3A_163 : i32
        %swap3A_172 = arith.index_cast %add3A_171 : i32 to index
        %swap3A_173 = arith.constant 80 : index
        %swap3A_174 = tpu.vector_load %arg4[%swap3A_172, %swap3A_173] {strides = array<i32>} : memref<128x128xf32, #tpu.memory_space<vmem>>, vector<1x16xf32>,
        %swap3A_175 = vector.shape_cast %swap3A_174 : vector<1x16xf32> to vector<16xf32>
        %swap3A_176 = vector.shape_cast %broadcast_in_dim3A_149 : vector<16xf32> to vector<1x16xf32>
        tpu.vector_store %arg4[%swap3A_172, %swap3A_173], %swap3A_176 {strides = array<i32>} : memref<128x128xf32, #tpu.memory_space<vmem>>, vector<1x16xf32>,
      }
      %scan3A_154 = arith.constant 32 : i32
      %broadcast_in_dim3A_155 = arith.constant 0.000000e+00 : f32
      %broadcast_in_dim3A_156 = vector.broadcast %broadcast_in_dim3A_155 : f32 to vector<16xf32>
      %scan3A_157 = arith.constant 0 : i32
      %scan3A_158 = arith.constant 0 : i32
      %scan3A_159 = arith.constant 32 : i32
      %scan3A_160 = arith.addi %scan3A_158, %scan3A_159 : i32
      %scan3A_161 = arith.constant 1 : i32
      scf.for %scan3A_163 = %scan3A_158 to %scan3A_160 step %scan3A_161  : i32 {
        %add3A_164 = arith.constant 64 : i32
        %add3A_165 = arith.addi %add3A_164, %scan3A_163 : i32
        %swap3A = arith.index_cast %add3A_165 : i32 to index
        %swap3A_166 = arith.constant 0 : index
        %swap3A_167 = tpu.vector_load %arg4[%swap3A, %swap3A_166] {strides = array<i32>} : memref<128x128xf32, #tpu.memory_space<vmem>>, vector<1x16xf32>,
        %swap3A_168 = vector.shape_cast %swap3A_167 : vector<1x16xf32> to vector<16xf32>
        %swap3A_169 = vector.shape_cast %broadcast_in_dim3A_156 : vector<16xf32> to vector<1x16xf32>
        tpu.vector_store %arg4[%swap3A, %swap3A_166], %swap3A_169 {strides = array<i32>} : memref<128x128xf32, #tpu.memory_space<vmem>>, vector<1x16xf32>,
        %add3A_170 = arith.constant 64 : i32
        %add3A_171 = arith.addi %add3A_170, %scan3A_163 : i32
        %swap3A_172 = arith.index_cast %add3A_171 : i32 to index
        %swap3A_173 = arith.constant 16 : index
        %swap3A_174 = tpu.vector_load %arg4[%swap3A_172, %swap3A_173] {strides = array<i32>} : memref<128x128xf32, #tpu.memory_space<vmem>>, vector<1x16xf32>,
        %swap3A_175 = vector.shape_cast %swap3A_174 : vector<1x16xf32> to vector<16xf32>
        %swap3A_176 = vector.shape_cast %broadcast_in_dim3A_156 : vector<16xf32> to vector<1x16xf32>
        tpu.vector_store %arg4[%swap3A_172, %swap3A_173], %swap3A_176 {strides = array<i32>} : memref<128x128xf32, #tpu.memory_space<vmem>>, vector<1x16xf32>,
      }
      %scan3A_162 = arith.constant 32 : i32
    } else {
    }
    %add3A_61 = arith.constant 0 : i32
    %add3A_62 = arith.addi %mul3A_2, %add3A_61 : i32
    %dma_start3A_63 = arith.constant 0 : i32
    %dma_start3A_64 = tpu.memref_slice %arg3[%add3A_62, %dma_start3A_63] : memref<32768x128xf32, #tpu.memory_space<hbm>> -> memref<128x128xf32, #tpu.memory_space<hbm>>
    %dma_start3A_65 = arith.constant 0 : i32
    %dma_start3A_66 = tpu.memref_slice %arg3[%add3A_62, %dma_start3A_65] : memref<32768x128xf32, #tpu.memory_space<hbm>> -> memref<128x128xf32, #tpu.memory_space<hbm>>
    tpu.enqueue_dma source(%arg4 : memref<128x128xf32, #tpu.memory_space<vmem>>) target(%dma_start3A_66 : memref<128x128xf32, #tpu.memory_space<hbm>>) target_semaphore(%arg10 : memref<!tpu.dma_semaphore, #tpu.memory_space<semaphore_mem>>)
    %dma_wait3A_67 = arith.constant 0 : i32
    %dma_wait3A_68 = tpu.memref_slice %arg3[%add3A_62, %dma_wait3A_67] : memref<32768x128xf32, #tpu.memory_space<hbm>> -> memref<128x128xf32, #tpu.memory_space<hbm>>
    %dma_wait3A_69 = arith.constant 0 : i32
    %dma_wait3A_70 = tpu.memref_slice %arg3[%add3A_62, %dma_wait3A_69] : memref<32768x128xf32, #tpu.memory_space<hbm>> -> memref<128x128xf32, #tpu.memory_space<hbm>>
    tpu.wait_dma2 semaphore(%arg10 : memref<!tpu.dma_semaphore, #tpu.memory_space<semaphore_mem>>) src(%arg4 : memref<128x128xf32, #tpu.memory_space<vmem>>) dst(%dma_wait3A_70 : memref<128x128xf32, #tpu.memory_space<hbm>>)
    %add3A_71 = arith.constant 896 : i32
    %add3A_72 = arith.addi %mul3A_2, %add3A_71 : i32
    %dma_start3A_73 = arith.constant 0 : i32
    %dma_start3A_74 = tpu.memref_slice %arg2[%add3A_72, %dma_start3A_73] : memref<32768x128xf32, #tpu.memory_space<hbm>> -> memref<128x128xf32, #tpu.memory_space<hbm>>
    %dma_start3A_75 = arith.constant 0 : i32
    %dma_start3A_76 = tpu.memref_slice %arg2[%add3A_72, %dma_start3A_75] : memref<32768x128xf32, #tpu.memory_space<hbm>> -> memref<128x128xf32, #tpu.memory_space<hbm>>
    tpu.enqueue_dma source(%dma_start3A_76 : memref<128x128xf32, #tpu.memory_space<hbm>>) target(%arg4 : memref<128x128xf32, #tpu.memory_space<vmem>>) target_semaphore(%arg7 : memref<!tpu.dma_semaphore, #tpu.memory_space<semaphore_mem>>)
    %dma_wait3A_77 = arith.constant 0 : i32
    %dma_wait3A_78 = tpu.memref_slice %arg2[%add3A_39, %dma_wait3A_77] : memref<32768x128xf32, #tpu.memory_space<hbm>> -> memref<384x128xf32, #tpu.memory_space<hbm>>
    %dma_wait3A_79 = arith.constant 0 : i32
    %dma_wait3A_80 = tpu.memref_slice %arg2[%add3A_39, %dma_wait3A_79] : memref<32768x128xf32, #tpu.memory_space<hbm>> -> memref<384x128xf32, #tpu.memory_space<hbm>>
    tpu.wait_dma2 semaphore(%arg8 : memref<!tpu.dma_semaphore, #tpu.memory_space<semaphore_mem>>) src(%dma_wait3A_80 : memref<384x128xf32, #tpu.memory_space<hbm>>) dst(%arg5 : memref<384x128xf32, #tpu.memory_space<vmem>>)
    %eq3A_81 = arith.constant 1 : i32
    %eq3A_82 = arith.cmpi eq, %select_n3A_32, %eq3A_81 : i32
    %convert_element_type3A_83 = arith.extui %eq3A_82 : i1 to i32
    %cond3A_84 = arith.constant 0 : i32
    %cond3A_85 = arith.cmpi ne, %convert_element_type3A_83, %cond3A_84 : i32
    scf.if %cond3A_85 {
      %broadcast_in_dim3A = arith.constant 0.000000e+00 : f32
      %broadcast_in_dim3A_149 = vector.broadcast %broadcast_in_dim3A : f32 to vector<16xf32>
      %scan3A = arith.constant 0 : i32
      %scan3A_150 = arith.constant 0 : i32
      %scan3A_151 = arith.constant 32 : i32
      %scan3A_152 = arith.addi %scan3A_150, %scan3A_151 : i32
      %scan3A_153 = arith.constant 1 : i32
      scf.for %scan3A_155 = %scan3A_150 to %scan3A_152 step %scan3A_153  : i32 {
        %add3A_156 = arith.constant 64 : i32
        %add3A_157 = arith.addi %add3A_156, %scan3A_155 : i32
        %swap3A = arith.index_cast %add3A_157 : i32 to index
        %swap3A_158 = arith.constant 32 : index
        %swap3A_159 = tpu.vector_load %arg5[%swap3A, %swap3A_158] {strides = array<i32>} : memref<384x128xf32, #tpu.memory_space<vmem>>, vector<1x16xf32>,
        %swap3A_160 = vector.shape_cast %swap3A_159 : vector<1x16xf32> to vector<16xf32>
        %swap3A_161 = vector.shape_cast %broadcast_in_dim3A_149 : vector<16xf32> to vector<1x16xf32>
        tpu.vector_store %arg5[%swap3A, %swap3A_158], %swap3A_161 {strides = array<i32>} : memref<384x128xf32, #tpu.memory_space<vmem>>, vector<1x16xf32>,
        %add3A_162 = arith.constant 64 : i32
        %add3A_163 = arith.addi %add3A_162, %scan3A_155 : i32
        %swap3A_164 = arith.index_cast %add3A_163 : i32 to index
        %swap3A_165 = arith.constant 48 : index
        %swap3A_166 = tpu.vector_load %arg5[%swap3A_164, %swap3A_165] {strides = array<i32>} : memref<384x128xf32, #tpu.memory_space<vmem>>, vector<1x16xf32>,
        %swap3A_167 = vector.shape_cast %swap3A_166 : vector<1x16xf32> to vector<16xf32>
        %swap3A_168 = vector.shape_cast %broadcast_in_dim3A_149 : vector<16xf32> to vector<1x16xf32>
        tpu.vector_store %arg5[%swap3A_164, %swap3A_165], %swap3A_168 {strides = array<i32>} : memref<384x128xf32, #tpu.memory_space<vmem>>, vector<1x16xf32>,
        %add3A_169 = arith.constant 192 : i32
        %add3A_170 = arith.addi %add3A_169, %scan3A_155 : i32
        %swap3A_171 = arith.index_cast %add3A_170 : i32 to index
        %swap3A_172 = arith.constant 32 : index
        %swap3A_173 = tpu.vector_load %arg5[%swap3A_171, %swap3A_172] {strides = array<i32>} : memref<384x128xf32, #tpu.memory_space<vmem>>, vector<1x16xf32>,
        %swap3A_174 = vector.shape_cast %swap3A_173 : vector<1x16xf32> to vector<16xf32>
        %swap3A_175 = vector.shape_cast %broadcast_in_dim3A_149 : vector<16xf32> to vector<1x16xf32>
        tpu.vector_store %arg5[%swap3A_171, %swap3A_172], %swap3A_175 {strides = array<i32>} : memref<384x128xf32, #tpu.memory_space<vmem>>, vector<1x16xf32>,
        %add3A_176 = arith.constant 192 : i32
        %add3A_177 = arith.addi %add3A_176, %scan3A_155 : i32
        %swap3A_178 = arith.index_cast %add3A_177 : i32 to index
        %swap3A_179 = arith.constant 48 : index
        %swap3A_180 = tpu.vector_load %arg5[%swap3A_178, %swap3A_179] {strides = array<i32>} : memref<384x128xf32, #tpu.memory_space<vmem>>, vector<1x16xf32>,
        %swap3A_181 = vector.shape_cast %swap3A_180 : vector<1x16xf32> to vector<16xf32>
        %swap3A_182 = vector.shape_cast %broadcast_in_dim3A_149 : vector<16xf32> to vector<1x16xf32>
        tpu.vector_store %arg5[%swap3A_178, %swap3A_179], %swap3A_182 {strides = array<i32>} : memref<384x128xf32, #tpu.memory_space<vmem>>, vector<1x16xf32>,
        %add3A_183 = arith.constant 320 : i32
        %add3A_184 = arith.addi %add3A_183, %scan3A_155 : i32
        %swap3A_185 = arith.index_cast %add3A_184 : i32 to index
        %swap3A_186 = arith.constant 32 : index
        %swap3A_187 = tpu.vector_load %arg5[%swap3A_185, %swap3A_186] {strides = array<i32>} : memref<384x128xf32, #tpu.memory_space<vmem>>, vector<1x16xf32>,
        %swap3A_188 = vector.shape_cast %swap3A_187 : vector<1x16xf32> to vector<16xf32>
        %swap3A_189 = vector.shape_cast %broadcast_in_dim3A_149 : vector<16xf32> to vector<1x16xf32>
        tpu.vector_store %arg5[%swap3A_185, %swap3A_186], %swap3A_189 {strides = array<i32>} : memref<384x128xf32, #tpu.memory_space<vmem>>, vector<1x16xf32>,
        %add3A_190 = arith.constant 320 : i32
        %add3A_191 = arith.addi %add3A_190, %scan3A_155 : i32
        %swap3A_192 = arith.index_cast %add3A_191 : i32 to index
        %swap3A_193 = arith.constant 48 : index
        %swap3A_194 = tpu.vector_load %arg5[%swap3A_192, %swap3A_193] {strides = array<i32>} : memref<384x128xf32, #tpu.memory_space<vmem>>, vector<1x16xf32>,
        %swap3A_195 = vector.shape_cast %swap3A_194 : vector<1x16xf32> to vector<16xf32>
        %swap3A_196 = vector.shape_cast %broadcast_in_dim3A_149 : vector<16xf32> to vector<1x16xf32>
        tpu.vector_store %arg5[%swap3A_192, %swap3A_193], %swap3A_196 {strides = array<i32>} : memref<384x128xf32, #tpu.memory_space<vmem>>, vector<1x16xf32>,
      }
      %scan3A_154 = arith.constant 32 : i32
    } else {
    }
    %eq3A_86 = arith.constant 2 : i32
    %eq3A_87 = arith.cmpi eq, %select_n3A_32, %eq3A_86 : i32
    %convert_element_type3A_88 = arith.extui %eq3A_87 : i1 to i32
    %cond3A_89 = arith.constant 0 : i32
    %cond3A_90 = arith.cmpi ne, %convert_element_type3A_88, %cond3A_89 : i32
    scf.if %cond3A_90 {
      %broadcast_in_dim3A = arith.constant 0.000000e+00 : f32
      %broadcast_in_dim3A_149 = vector.broadcast %broadcast_in_dim3A : f32 to vector<16xf32>
      %scan3A = arith.constant 0 : i32
      %scan3A_150 = arith.constant 0 : i32
      %scan3A_151 = arith.constant 32 : i32
      %scan3A_152 = arith.addi %scan3A_150, %scan3A_151 : i32
      %scan3A_153 = arith.constant 1 : i32
      scf.for %scan3A_163 = %scan3A_150 to %scan3A_152 step %scan3A_153  : i32 {
        %add3A_164 = arith.constant 32 : i32
        %add3A_165 = arith.addi %add3A_164, %scan3A_163 : i32
        %swap3A = arith.index_cast %add3A_165 : i32 to index
        %swap3A_166 = arith.constant 64 : index
        %swap3A_167 = tpu.vector_load %arg5[%swap3A, %swap3A_166] {strides = array<i32>} : memref<384x128xf32, #tpu.memory_space<vmem>>, vector<1x16xf32>,
        %swap3A_168 = vector.shape_cast %swap3A_167 : vector<1x16xf32> to vector<16xf32>
        %swap3A_169 = vector.shape_cast %broadcast_in_dim3A_149 : vector<16xf32> to vector<1x16xf32>
        tpu.vector_store %arg5[%swap3A, %swap3A_166], %swap3A_169 {strides = array<i32>} : memref<384x128xf32, #tpu.memory_space<vmem>>, vector<1x16xf32>,
        %add3A_170 = arith.constant 32 : i32
        %add3A_171 = arith.addi %add3A_170, %scan3A_163 : i32
        %swap3A_172 = arith.index_cast %add3A_171 : i32 to index
        %swap3A_173 = arith.constant 80 : index
        %swap3A_174 = tpu.vector_load %arg5[%swap3A_172, %swap3A_173] {strides = array<i32>} : memref<384x128xf32, #tpu.memory_space<vmem>>, vector<1x16xf32>,
        %swap3A_175 = vector.shape_cast %swap3A_174 : vector<1x16xf32> to vector<16xf32>
        %swap3A_176 = vector.shape_cast %broadcast_in_dim3A_149 : vector<16xf32> to vector<1x16xf32>
        tpu.vector_store %arg5[%swap3A_172, %swap3A_173], %swap3A_176 {strides = array<i32>} : memref<384x128xf32, #tpu.memory_space<vmem>>, vector<1x16xf32>,
        %add3A_177 = arith.constant 160 : i32
        %add3A_178 = arith.addi %add3A_177, %scan3A_163 : i32
        %swap3A_179 = arith.index_cast %add3A_178 : i32 to index
        %swap3A_180 = arith.constant 64 : index
        %swap3A_181 = tpu.vector_load %arg5[%swap3A_179, %swap3A_180] {strides = array<i32>} : memref<384x128xf32, #tpu.memory_space<vmem>>, vector<1x16xf32>,
        %swap3A_182 = vector.shape_cast %swap3A_181 : vector<1x16xf32> to vector<16xf32>
        %swap3A_183 = vector.shape_cast %broadcast_in_dim3A_149 : vector<16xf32> to vector<1x16xf32>
        tpu.vector_store %arg5[%swap3A_179, %swap3A_180], %swap3A_183 {strides = array<i32>} : memref<384x128xf32, #tpu.memory_space<vmem>>, vector<1x16xf32>,
        %add3A_184 = arith.constant 160 : i32
        %add3A_185 = arith.addi %add3A_184, %scan3A_163 : i32
        %swap3A_186 = arith.index_cast %add3A_185 : i32 to index
        %swap3A_187 = arith.constant 80 : index
        %swap3A_188 = tpu.vector_load %arg5[%swap3A_186, %swap3A_187] {strides = array<i32>} : memref<384x128xf32, #tpu.memory_space<vmem>>, vector<1x16xf32>,
        %swap3A_189 = vector.shape_cast %swap3A_188 : vector<1x16xf32> to vector<16xf32>
        %swap3A_190 = vector.shape_cast %broadcast_in_dim3A_149 : vector<16xf32> to vector<1x16xf32>
        tpu.vector_store %arg5[%swap3A_186, %swap3A_187], %swap3A_190 {strides = array<i32>} : memref<384x128xf32, #tpu.memory_space<vmem>>, vector<1x16xf32>,
        %add3A_191 = arith.constant 288 : i32
        %add3A_192 = arith.addi %add3A_191, %scan3A_163 : i32
        %swap3A_193 = arith.index_cast %add3A_192 : i32 to index
        %swap3A_194 = arith.constant 64 : index
        %swap3A_195 = tpu.vector_load %arg5[%swap3A_193, %swap3A_194] {strides = array<i32>} : memref<384x128xf32, #tpu.memory_space<vmem>>, vector<1x16xf32>,
        %swap3A_196 = vector.shape_cast %swap3A_195 : vector<1x16xf32> to vector<16xf32>
        %swap3A_197 = vector.shape_cast %broadcast_in_dim3A_149 : vector<16xf32> to vector<1x16xf32>
        tpu.vector_store %arg5[%swap3A_193, %swap3A_194], %swap3A_197 {strides = array<i32>} : memref<384x128xf32, #tpu.memory_space<vmem>>, vector<1x16xf32>,
        %add3A_198 = arith.constant 288 : i32
        %add3A_199 = arith.addi %add3A_198, %scan3A_163 : i32
        %swap3A_200 = arith.index_cast %add3A_199 : i32 to index
        %swap3A_201 = arith.constant 80 : index
        %swap3A_202 = tpu.vector_load %arg5[%swap3A_200, %swap3A_201] {strides = array<i32>} : memref<384x128xf32, #tpu.memory_space<vmem>>, vector<1x16xf32>,
        %swap3A_203 = vector.shape_cast %swap3A_202 : vector<1x16xf32> to vector<16xf32>
        %swap3A_204 = vector.shape_cast %broadcast_in_dim3A_149 : vector<16xf32> to vector<1x16xf32>
        tpu.vector_store %arg5[%swap3A_200, %swap3A_201], %swap3A_204 {strides = array<i32>} : memref<384x128xf32, #tpu.memory_space<vmem>>, vector<1x16xf32>,
      }
      %scan3A_154 = arith.constant 32 : i32
      %broadcast_in_dim3A_155 = arith.constant 0.000000e+00 : f32
      %broadcast_in_dim3A_156 = vector.broadcast %broadcast_in_dim3A_155 : f32 to vector<16xf32>
      %scan3A_157 = arith.constant 0 : i32
      %scan3A_158 = arith.constant 0 : i32
      %scan3A_159 = arith.constant 32 : i32
      %scan3A_160 = arith.addi %scan3A_158, %scan3A_159 : i32
      %scan3A_161 = arith.constant 1 : i32
      scf.for %scan3A_163 = %scan3A_158 to %scan3A_160 step %scan3A_161  : i32 {
        %add3A_164 = arith.constant 64 : i32
        %add3A_165 = arith.addi %add3A_164, %scan3A_163 : i32
        %swap3A = arith.index_cast %add3A_165 : i32 to index
        %swap3A_166 = arith.constant 0 : index
        %swap3A_167 = tpu.vector_load %arg5[%swap3A, %swap3A_166] {strides = array<i32>} : memref<384x128xf32, #tpu.memory_space<vmem>>, vector<1x16xf32>,
        %swap3A_168 = vector.shape_cast %swap3A_167 : vector<1x16xf32> to vector<16xf32>
        %swap3A_169 = vector.shape_cast %broadcast_in_dim3A_156 : vector<16xf32> to vector<1x16xf32>
        tpu.vector_store %arg5[%swap3A, %swap3A_166], %swap3A_169 {strides = array<i32>} : memref<384x128xf32, #tpu.memory_space<vmem>>, vector<1x16xf32>,
        %add3A_170 = arith.constant 64 : i32
        %add3A_171 = arith.addi %add3A_170, %scan3A_163 : i32
        %swap3A_172 = arith.index_cast %add3A_171 : i32 to index
        %swap3A_173 = arith.constant 16 : index
        %swap3A_174 = tpu.vector_load %arg5[%swap3A_172, %swap3A_173] {strides = array<i32>} : memref<384x128xf32, #tpu.memory_space<vmem>>, vector<1x16xf32>,
        %swap3A_175 = vector.shape_cast %swap3A_174 : vector<1x16xf32> to vector<16xf32>
        %swap3A_176 = vector.shape_cast %broadcast_in_dim3A_156 : vector<16xf32> to vector<1x16xf32>
        tpu.vector_store %arg5[%swap3A_172, %swap3A_173], %swap3A_176 {strides = array<i32>} : memref<384x128xf32, #tpu.memory_space<vmem>>, vector<1x16xf32>,
        %add3A_177 = arith.constant 192 : i32
        %add3A_178 = arith.addi %add3A_177, %scan3A_163 : i32
        %swap3A_179 = arith.index_cast %add3A_178 : i32 to index
        %swap3A_180 = arith.constant 0 : index
        %swap3A_181 = tpu.vector_load %arg5[%swap3A_179, %swap3A_180] {strides = array<i32>} : memref<384x128xf32, #tpu.memory_space<vmem>>, vector<1x16xf32>,
        %swap3A_182 = vector.shape_cast %swap3A_181 : vector<1x16xf32> to vector<16xf32>
        %swap3A_183 = vector.shape_cast %broadcast_in_dim3A_156 : vector<16xf32> to vector<1x16xf32>
        tpu.vector_store %arg5[%swap3A_179, %swap3A_180], %swap3A_183 {strides = array<i32>} : memref<384x128xf32, #tpu.memory_space<vmem>>, vector<1x16xf32>,
        %add3A_184 = arith.constant 192 : i32
        %add3A_185 = arith.addi %add3A_184, %scan3A_163 : i32
        %swap3A_186 = arith.index_cast %add3A_185 : i32 to index
        %swap3A_187 = arith.constant 16 : index
        %swap3A_188 = tpu.vector_load %arg5[%swap3A_186, %swap3A_187] {strides = array<i32>} : memref<384x128xf32, #tpu.memory_space<vmem>>, vector<1x16xf32>,
        %swap3A_189 = vector.shape_cast %swap3A_188 : vector<1x16xf32> to vector<16xf32>
        %swap3A_190 = vector.shape_cast %broadcast_in_dim3A_156 : vector<16xf32> to vector<1x16xf32>
        tpu.vector_store %arg5[%swap3A_186, %swap3A_187], %swap3A_190 {strides = array<i32>} : memref<384x128xf32, #tpu.memory_space<vmem>>, vector<1x16xf32>,
        %add3A_191 = arith.constant 320 : i32
        %add3A_192 = arith.addi %add3A_191, %scan3A_163 : i32
        %swap3A_193 = arith.index_cast %add3A_192 : i32 to index
        %swap3A_194 = arith.constant 0 : index
        %swap3A_195 = tpu.vector_load %arg5[%swap3A_193, %swap3A_194] {strides = array<i32>} : memref<384x128xf32, #tpu.memory_space<vmem>>, vector<1x16xf32>,
        %swap3A_196 = vector.shape_cast %swap3A_195 : vector<1x16xf32> to vector<16xf32>
        %swap3A_197 = vector.shape_cast %broadcast_in_dim3A_156 : vector<16xf32> to vector<1x16xf32>
        tpu.vector_store %arg5[%swap3A_193, %swap3A_194], %swap3A_197 {strides = array<i32>} : memref<384x128xf32, #tpu.memory_space<vmem>>, vector<1x16xf32>,
        %add3A_198 = arith.constant 320 : i32
        %add3A_199 = arith.addi %add3A_198, %scan3A_163 : i32
        %swap3A_200 = arith.index_cast %add3A_199 : i32 to index
        %swap3A_201 = arith.constant 16 : index
        %swap3A_202 = tpu.vector_load %arg5[%swap3A_200, %swap3A_201] {strides = array<i32>} : memref<384x128xf32, #tpu.memory_space<vmem>>, vector<1x16xf32>,
        %swap3A_203 = vector.shape_cast %swap3A_202 : vector<1x16xf32> to vector<16xf32>
        %swap3A_204 = vector.shape_cast %broadcast_in_dim3A_156 : vector<16xf32> to vector<1x16xf32>
        tpu.vector_store %arg5[%swap3A_200, %swap3A_201], %swap3A_204 {strides = array<i32>} : memref<384x128xf32, #tpu.memory_space<vmem>>, vector<1x16xf32>,
      }
      %scan3A_162 = arith.constant 32 : i32
    } else {
    }
    %add3A_91 = arith.constant 128 : i32
    %add3A_92 = arith.addi %mul3A_2, %add3A_91 : i32
    %dma_start3A_93 = arith.constant 0 : i32
    %dma_start3A_94 = tpu.memref_slice %arg3[%add3A_92, %dma_start3A_93] : memref<32768x128xf32, #tpu.memory_space<hbm>> -> memref<384x128xf32, #tpu.memory_space<hbm>>
    %dma_start3A_95 = arith.constant 0 : i32
    %dma_start3A_96 = tpu.memref_slice %arg3[%add3A_92, %dma_start3A_95] : memref<32768x128xf32, #tpu.memory_space<hbm>> -> memref<384x128xf32, #tpu.memory_space<hbm>>
    tpu.enqueue_dma source(%arg5 : memref<384x128xf32, #tpu.memory_space<vmem>>) target(%dma_start3A_96 : memref<384x128xf32, #tpu.memory_space<hbm>>) target_semaphore(%arg11 : memref<!tpu.dma_semaphore, #tpu.memory_space<semaphore_mem>>)
    %dma_wait3A_97 = arith.constant 0 : i32
    %dma_wait3A_98 = tpu.memref_slice %arg2[%add3A_45, %dma_wait3A_97] : memref<32768x128xf32, #tpu.memory_space<hbm>> -> memref<384x128xf32, #tpu.memory_space<hbm>>
    %dma_wait3A_99 = arith.constant 0 : i32
    %dma_wait3A_100 = tpu.memref_slice %arg2[%add3A_45, %dma_wait3A_99] : memref<32768x128xf32, #tpu.memory_space<hbm>> -> memref<384x128xf32, #tpu.memory_space<hbm>>
    tpu.wait_dma2 semaphore(%arg9 : memref<!tpu.dma_semaphore, #tpu.memory_space<semaphore_mem>>) src(%dma_wait3A_100 : memref<384x128xf32, #tpu.memory_space<hbm>>) dst(%arg6 : memref<384x128xf32, #tpu.memory_space<vmem>>)
    %eq3A_101 = arith.constant 1 : i32
    %eq3A_102 = arith.cmpi eq, %select_n3A_32, %eq3A_101 : i32
    %convert_element_type3A_103 = arith.extui %eq3A_102 : i1 to i32
    %cond3A_104 = arith.constant 0 : i32
    %cond3A_105 = arith.cmpi ne, %convert_element_type3A_103, %cond3A_104 : i32
    scf.if %cond3A_105 {
      %broadcast_in_dim3A = arith.constant 0.000000e+00 : f32
      %broadcast_in_dim3A_149 = vector.broadcast %broadcast_in_dim3A : f32 to vector<16xf32>
      %scan3A = arith.constant 0 : i32
      %scan3A_150 = arith.constant 0 : i32
      %scan3A_151 = arith.constant 32 : i32
      %scan3A_152 = arith.addi %scan3A_150, %scan3A_151 : i32
      %scan3A_153 = arith.constant 1 : i32
      scf.for %scan3A_155 = %scan3A_150 to %scan3A_152 step %scan3A_153  : i32 {
        %add3A_156 = arith.constant 64 : i32
        %add3A_157 = arith.addi %add3A_156, %scan3A_155 : i32
        %swap3A = arith.index_cast %add3A_157 : i32 to index
        %swap3A_158 = arith.constant 32 : index
        %swap3A_159 = tpu.vector_load %arg6[%swap3A, %swap3A_158] {strides = array<i32>} : memref<384x128xf32, #tpu.memory_space<vmem>>, vector<1x16xf32>,
        %swap3A_160 = vector.shape_cast %swap3A_159 : vector<1x16xf32> to vector<16xf32>
        %swap3A_161 = vector.shape_cast %broadcast_in_dim3A_149 : vector<16xf32> to vector<1x16xf32>
        tpu.vector_store %arg6[%swap3A, %swap3A_158], %swap3A_161 {strides = array<i32>} : memref<384x128xf32, #tpu.memory_space<vmem>>, vector<1x16xf32>,
        %add3A_162 = arith.constant 64 : i32
        %add3A_163 = arith.addi %add3A_162, %scan3A_155 : i32
        %swap3A_164 = arith.index_cast %add3A_163 : i32 to index
        %swap3A_165 = arith.constant 48 : index
        %swap3A_166 = tpu.vector_load %arg6[%swap3A_164, %swap3A_165] {strides = array<i32>} : memref<384x128xf32, #tpu.memory_space<vmem>>, vector<1x16xf32>,
        %swap3A_167 = vector.shape_cast %swap3A_166 : vector<1x16xf32> to vector<16xf32>
        %swap3A_168 = vector.shape_cast %broadcast_in_dim3A_149 : vector<16xf32> to vector<1x16xf32>
        tpu.vector_store %arg6[%swap3A_164, %swap3A_165], %swap3A_168 {strides = array<i32>} : memref<384x128xf32, #tpu.memory_space<vmem>>, vector<1x16xf32>,
        %add3A_169 = arith.constant 192 : i32
        %add3A_170 = arith.addi %add3A_169, %scan3A_155 : i32
        %swap3A_171 = arith.index_cast %add3A_170 : i32 to index
        %swap3A_172 = arith.constant 32 : index
        %swap3A_173 = tpu.vector_load %arg6[%swap3A_171, %swap3A_172] {strides = array<i32>} : memref<384x128xf32, #tpu.memory_space<vmem>>, vector<1x16xf32>,
        %swap3A_174 = vector.shape_cast %swap3A_173 : vector<1x16xf32> to vector<16xf32>
        %swap3A_175 = vector.shape_cast %broadcast_in_dim3A_149 : vector<16xf32> to vector<1x16xf32>
        tpu.vector_store %arg6[%swap3A_171, %swap3A_172], %swap3A_175 {strides = array<i32>} : memref<384x128xf32, #tpu.memory_space<vmem>>, vector<1x16xf32>,
        %add3A_176 = arith.constant 192 : i32
        %add3A_177 = arith.addi %add3A_176, %scan3A_155 : i32
        %swap3A_178 = arith.index_cast %add3A_177 : i32 to index
        %swap3A_179 = arith.constant 48 : index
        %swap3A_180 = tpu.vector_load %arg6[%swap3A_178, %swap3A_179] {strides = array<i32>} : memref<384x128xf32, #tpu.memory_space<vmem>>, vector<1x16xf32>,
        %swap3A_181 = vector.shape_cast %swap3A_180 : vector<1x16xf32> to vector<16xf32>
        %swap3A_182 = vector.shape_cast %broadcast_in_dim3A_149 : vector<16xf32> to vector<1x16xf32>
        tpu.vector_store %arg6[%swap3A_178, %swap3A_179], %swap3A_182 {strides = array<i32>} : memref<384x128xf32, #tpu.memory_space<vmem>>, vector<1x16xf32>,
        %add3A_183 = arith.constant 320 : i32
        %add3A_184 = arith.addi %add3A_183, %scan3A_155 : i32
        %swap3A_185 = arith.index_cast %add3A_184 : i32 to index
        %swap3A_186 = arith.constant 32 : index
        %swap3A_187 = tpu.vector_load %arg6[%swap3A_185, %swap3A_186] {strides = array<i32>} : memref<384x128xf32, #tpu.memory_space<vmem>>, vector<1x16xf32>,
        %swap3A_188 = vector.shape_cast %swap3A_187 : vector<1x16xf32> to vector<16xf32>
        %swap3A_189 = vector.shape_cast %broadcast_in_dim3A_149 : vector<16xf32> to vector<1x16xf32>
        tpu.vector_store %arg6[%swap3A_185, %swap3A_186], %swap3A_189 {strides = array<i32>} : memref<384x128xf32, #tpu.memory_space<vmem>>, vector<1x16xf32>,
        %add3A_190 = arith.constant 320 : i32
        %add3A_191 = arith.addi %add3A_190, %scan3A_155 : i32
        %swap3A_192 = arith.index_cast %add3A_191 : i32 to index
        %swap3A_193 = arith.constant 48 : index
        %swap3A_194 = tpu.vector_load %arg6[%swap3A_192, %swap3A_193] {strides = array<i32>} : memref<384x128xf32, #tpu.memory_space<vmem>>, vector<1x16xf32>,
        %swap3A_195 = vector.shape_cast %swap3A_194 : vector<1x16xf32> to vector<16xf32>
        %swap3A_196 = vector.shape_cast %broadcast_in_dim3A_149 : vector<16xf32> to vector<1x16xf32>
        tpu.vector_store %arg6[%swap3A_192, %swap3A_193], %swap3A_196 {strides = array<i32>} : memref<384x128xf32, #tpu.memory_space<vmem>>, vector<1x16xf32>,
      }
      %scan3A_154 = arith.constant 32 : i32
    } else {
    }
    %eq3A_106 = arith.constant 2 : i32
    %eq3A_107 = arith.cmpi eq, %select_n3A_32, %eq3A_106 : i32
    %convert_element_type3A_108 = arith.extui %eq3A_107 : i1 to i32
    %cond3A_109 = arith.constant 0 : i32
    %cond3A_110 = arith.cmpi ne, %convert_element_type3A_108, %cond3A_109 : i32
    scf.if %cond3A_110 {
      %broadcast_in_dim3A = arith.constant 0.000000e+00 : f32
      %broadcast_in_dim3A_149 = vector.broadcast %broadcast_in_dim3A : f32 to vector<16xf32>
      %scan3A = arith.constant 0 : i32
      %scan3A_150 = arith.constant 0 : i32
      %scan3A_151 = arith.constant 32 : i32
      %scan3A_152 = arith.addi %scan3A_150, %scan3A_151 : i32
      %scan3A_153 = arith.constant 1 : i32
      scf.for %scan3A_163 = %scan3A_150 to %scan3A_152 step %scan3A_153  : i32 {
        %add3A_164 = arith.constant 32 : i32
        %add3A_165 = arith.addi %add3A_164, %scan3A_163 : i32
        %swap3A = arith.index_cast %add3A_165 : i32 to index
        %swap3A_166 = arith.constant 64 : index
        %swap3A_167 = tpu.vector_load %arg6[%swap3A, %swap3A_166] {strides = array<i32>} : memref<384x128xf32, #tpu.memory_space<vmem>>, vector<1x16xf32>,
        %swap3A_168 = vector.shape_cast %swap3A_167 : vector<1x16xf32> to vector<16xf32>
        %swap3A_169 = vector.shape_cast %broadcast_in_dim3A_149 : vector<16xf32> to vector<1x16xf32>
        tpu.vector_store %arg6[%swap3A, %swap3A_166], %swap3A_169 {strides = array<i32>} : memref<384x128xf32, #tpu.memory_space<vmem>>, vector<1x16xf32>,
        %add3A_170 = arith.constant 32 : i32
        %add3A_171 = arith.addi %add3A_170, %scan3A_163 : i32
        %swap3A_172 = arith.index_cast %add3A_171 : i32 to index
        %swap3A_173 = arith.constant 80 : index
        %swap3A_174 = tpu.vector_load %arg6[%swap3A_172, %swap3A_173] {strides = array<i32>} : memref<384x128xf32, #tpu.memory_space<vmem>>, vector<1x16xf32>,
        %swap3A_175 = vector.shape_cast %swap3A_174 : vector<1x16xf32> to vector<16xf32>
        %swap3A_176 = vector.shape_cast %broadcast_in_dim3A_149 : vector<16xf32> to vector<1x16xf32>
        tpu.vector_store %arg6[%swap3A_172, %swap3A_173], %swap3A_176 {strides = array<i32>} : memref<384x128xf32, #tpu.memory_space<vmem>>, vector<1x16xf32>,
        %add3A_177 = arith.constant 160 : i32
        %add3A_178 = arith.addi %add3A_177, %scan3A_163 : i32
        %swap3A_179 = arith.index_cast %add3A_178 : i32 to index
        %swap3A_180 = arith.constant 64 : index
        %swap3A_181 = tpu.vector_load %arg6[%swap3A_179, %swap3A_180] {strides = array<i32>} : memref<384x128xf32, #tpu.memory_space<vmem>>, vector<1x16xf32>,
        %swap3A_182 = vector.shape_cast %swap3A_181 : vector<1x16xf32> to vector<16xf32>
        %swap3A_183 = vector.shape_cast %broadcast_in_dim3A_149 : vector<16xf32> to vector<1x16xf32>
        tpu.vector_store %arg6[%swap3A_179, %swap3A_180], %swap3A_183 {strides = array<i32>} : memref<384x128xf32, #tpu.memory_space<vmem>>, vector<1x16xf32>,
        %add3A_184 = arith.constant 160 : i32
        %add3A_185 = arith.addi %add3A_184, %scan3A_163 : i32
        %swap3A_186 = arith.index_cast %add3A_185 : i32 to index
        %swap3A_187 = arith.constant 80 : index
        %swap3A_188 = tpu.vector_load %arg6[%swap3A_186, %swap3A_187] {strides = array<i32>} : memref<384x128xf32, #tpu.memory_space<vmem>>, vector<1x16xf32>,
        %swap3A_189 = vector.shape_cast %swap3A_188 : vector<1x16xf32> to vector<16xf32>
        %swap3A_190 = vector.shape_cast %broadcast_in_dim3A_149 : vector<16xf32> to vector<1x16xf32>
        tpu.vector_store %arg6[%swap3A_186, %swap3A_187], %swap3A_190 {strides = array<i32>} : memref<384x128xf32, #tpu.memory_space<vmem>>, vector<1x16xf32>,
        %add3A_191 = arith.constant 288 : i32
        %add3A_192 = arith.addi %add3A_191, %scan3A_163 : i32
        %swap3A_193 = arith.index_cast %add3A_192 : i32 to index
        %swap3A_194 = arith.constant 64 : index
        %swap3A_195 = tpu.vector_load %arg6[%swap3A_193, %swap3A_194] {strides = array<i32>} : memref<384x128xf32, #tpu.memory_space<vmem>>, vector<1x16xf32>,
        %swap3A_196 = vector.shape_cast %swap3A_195 : vector<1x16xf32> to vector<16xf32>
        %swap3A_197 = vector.shape_cast %broadcast_in_dim3A_149 : vector<16xf32> to vector<1x16xf32>
        tpu.vector_store %arg6[%swap3A_193, %swap3A_194], %swap3A_197 {strides = array<i32>} : memref<384x128xf32, #tpu.memory_space<vmem>>, vector<1x16xf32>,
        %add3A_198 = arith.constant 288 : i32
        %add3A_199 = arith.addi %add3A_198, %scan3A_163 : i32
        %swap3A_200 = arith.index_cast %add3A_199 : i32 to index
        %swap3A_201 = arith.constant 80 : index
        %swap3A_202 = tpu.vector_load %arg6[%swap3A_200, %swap3A_201] {strides = array<i32>} : memref<384x128xf32, #tpu.memory_space<vmem>>, vector<1x16xf32>,
        %swap3A_203 = vector.shape_cast %swap3A_202 : vector<1x16xf32> to vector<16xf32>
        %swap3A_204 = vector.shape_cast %broadcast_in_dim3A_149 : vector<16xf32> to vector<1x16xf32>
        tpu.vector_store %arg6[%swap3A_200, %swap3A_201], %swap3A_204 {strides = array<i32>} : memref<384x128xf32, #tpu.memory_space<vmem>>, vector<1x16xf32>,
      }
      %scan3A_154 = arith.constant 32 : i32
      %broadcast_in_dim3A_155 = arith.constant 0.000000e+00 : f32
      %broadcast_in_dim3A_156 = vector.broadcast %broadcast_in_dim3A_155 : f32 to vector<16xf32>
      %scan3A_157 = arith.constant 0 : i32
      %scan3A_158 = arith.constant 0 : i32
      %scan3A_159 = arith.constant 32 : i32
      %scan3A_160 = arith.addi %scan3A_158, %scan3A_159 : i32
      %scan3A_161 = arith.constant 1 : i32
      scf.for %scan3A_163 = %scan3A_158 to %scan3A_160 step %scan3A_161  : i32 {
        %add3A_164 = arith.constant 64 : i32
        %add3A_165 = arith.addi %add3A_164, %scan3A_163 : i32
        %swap3A = arith.index_cast %add3A_165 : i32 to index
        %swap3A_166 = arith.constant 0 : index
        %swap3A_167 = tpu.vector_load %arg6[%swap3A, %swap3A_166] {strides = array<i32>} : memref<384x128xf32, #tpu.memory_space<vmem>>, vector<1x16xf32>,
        %swap3A_168 = vector.shape_cast %swap3A_167 : vector<1x16xf32> to vector<16xf32>
        %swap3A_169 = vector.shape_cast %broadcast_in_dim3A_156 : vector<16xf32> to vector<1x16xf32>
        tpu.vector_store %arg6[%swap3A, %swap3A_166], %swap3A_169 {strides = array<i32>} : memref<384x128xf32, #tpu.memory_space<vmem>>, vector<1x16xf32>,
        %add3A_170 = arith.constant 64 : i32
        %add3A_171 = arith.addi %add3A_170, %scan3A_163 : i32
        %swap3A_172 = arith.index_cast %add3A_171 : i32 to index
        %swap3A_173 = arith.constant 16 : index
        %swap3A_174 = tpu.vector_load %arg6[%swap3A_172, %swap3A_173] {strides = array<i32>} : memref<384x128xf32, #tpu.memory_space<vmem>>, vector<1x16xf32>,
        %swap3A_175 = vector.shape_cast %swap3A_174 : vector<1x16xf32> to vector<16xf32>
        %swap3A_176 = vector.shape_cast %broadcast_in_dim3A_156 : vector<16xf32> to vector<1x16xf32>
        tpu.vector_store %arg6[%swap3A_172, %swap3A_173], %swap3A_176 {strides = array<i32>} : memref<384x128xf32, #tpu.memory_space<vmem>>, vector<1x16xf32>,
        %add3A_177 = arith.constant 192 : i32
        %add3A_178 = arith.addi %add3A_177, %scan3A_163 : i32
        %swap3A_179 = arith.index_cast %add3A_178 : i32 to index
        %swap3A_180 = arith.constant 0 : index
        %swap3A_181 = tpu.vector_load %arg6[%swap3A_179, %swap3A_180] {strides = array<i32>} : memref<384x128xf32, #tpu.memory_space<vmem>>, vector<1x16xf32>,
        %swap3A_182 = vector.shape_cast %swap3A_181 : vector<1x16xf32> to vector<16xf32>
        %swap3A_183 = vector.shape_cast %broadcast_in_dim3A_156 : vector<16xf32> to vector<1x16xf32>
        tpu.vector_store %arg6[%swap3A_179, %swap3A_180], %swap3A_183 {strides = array<i32>} : memref<384x128xf32, #tpu.memory_space<vmem>>, vector<1x16xf32>,
        %add3A_184 = arith.constant 192 : i32
        %add3A_185 = arith.addi %add3A_184, %scan3A_163 : i32
        %swap3A_186 = arith.index_cast %add3A_185 : i32 to index
        %swap3A_187 = arith.constant 16 : index
        %swap3A_188 = tpu.vector_load %arg6[%swap3A_186, %swap3A_187] {strides = array<i32>} : memref<384x128xf32, #tpu.memory_space<vmem>>, vector<1x16xf32>,
        %swap3A_189 = vector.shape_cast %swap3A_188 : vector<1x16xf32> to vector<16xf32>
        %swap3A_190 = vector.shape_cast %broadcast_in_dim3A_156 : vector<16xf32> to vector<1x16xf32>
        tpu.vector_store %arg6[%swap3A_186, %swap3A_187], %swap3A_190 {strides = array<i32>} : memref<384x128xf32, #tpu.memory_space<vmem>>, vector<1x16xf32>,
        %add3A_191 = arith.constant 320 : i32
        %add3A_192 = arith.addi %add3A_191, %scan3A_163 : i32
        %swap3A_193 = arith.index_cast %add3A_192 : i32 to index
        %swap3A_194 = arith.constant 0 : index
        %swap3A_195 = tpu.vector_load %arg6[%swap3A_193, %swap3A_194] {strides = array<i32>} : memref<384x128xf32, #tpu.memory_space<vmem>>, vector<1x16xf32>,
        %swap3A_196 = vector.shape_cast %swap3A_195 : vector<1x16xf32> to vector<16xf32>
        %swap3A_197 = vector.shape_cast %broadcast_in_dim3A_156 : vector<16xf32> to vector<1x16xf32>
        tpu.vector_store %arg6[%swap3A_193, %swap3A_194], %swap3A_197 {strides = array<i32>} : memref<384x128xf32, #tpu.memory_space<vmem>>, vector<1x16xf32>,
        %add3A_198 = arith.constant 320 : i32
        %add3A_199 = arith.addi %add3A_198, %scan3A_163 : i32
        %swap3A_200 = arith.index_cast %add3A_199 : i32 to index
        %swap3A_201 = arith.constant 16 : index
        %swap3A_202 = tpu.vector_load %arg6[%swap3A_200, %swap3A_201] {strides = array<i32>} : memref<384x128xf32, #tpu.memory_space<vmem>>, vector<1x16xf32>,
        %swap3A_203 = vector.shape_cast %swap3A_202 : vector<1x16xf32> to vector<16xf32>
        %swap3A_204 = vector.shape_cast %broadcast_in_dim3A_156 : vector<16xf32> to vector<1x16xf32>
        tpu.vector_store %arg6[%swap3A_200, %swap3A_201], %swap3A_204 {strides = array<i32>} : memref<384x128xf32, #tpu.memory_space<vmem>>, vector<1x16xf32>,
      }
      %scan3A_162 = arith.constant 32 : i32
    } else {
    }
    %add3A_111 = arith.constant 512 : i32
    %add3A_112 = arith.addi %mul3A_2, %add3A_111 : i32
    %dma_start3A_113 = arith.constant 0 : i32
    %dma_start3A_114 = tpu.memref_slice %arg3[%add3A_112, %dma_start3A_113] : memref<32768x128xf32, #tpu.memory_space<hbm>> -> memref<384x128xf32, #tpu.memory_space<hbm>>
    %dma_start3A_115 = arith.constant 0 : i32
    %dma_start3A_116 = tpu.memref_slice %arg3[%add3A_112, %dma_start3A_115] : memref<32768x128xf32, #tpu.memory_space<hbm>> -> memref<384x128xf32, #tpu.memory_space<hbm>>
    tpu.enqueue_dma source(%arg6 : memref<384x128xf32, #tpu.memory_space<vmem>>) target(%dma_start3A_116 : memref<384x128xf32, #tpu.memory_space<hbm>>) target_semaphore(%arg12 : memref<!tpu.dma_semaphore, #tpu.memory_space<semaphore_mem>>)
    %dma_wait3A_117 = arith.constant 0 : i32
    %dma_wait3A_118 = tpu.memref_slice %arg2[%add3A_72, %dma_wait3A_117] : memref<32768x128xf32, #tpu.memory_space<hbm>> -> memref<128x128xf32, #tpu.memory_space<hbm>>
    %dma_wait3A_119 = arith.constant 0 : i32
    %dma_wait3A_120 = tpu.memref_slice %arg2[%add3A_72, %dma_wait3A_119] : memref<32768x128xf32, #tpu.memory_space<hbm>> -> memref<128x128xf32, #tpu.memory_space<hbm>>
    tpu.wait_dma2 semaphore(%arg7 : memref<!tpu.dma_semaphore, #tpu.memory_space<semaphore_mem>>) src(%dma_wait3A_120 : memref<128x128xf32, #tpu.memory_space<hbm>>) dst(%arg4 : memref<128x128xf32, #tpu.memory_space<vmem>>)
    %eq3A_121 = arith.constant 1 : i32
    %eq3A_122 = arith.cmpi eq, %select_n3A_32, %eq3A_121 : i32
    %convert_element_type3A_123 = arith.extui %eq3A_122 : i1 to i32
    %cond3A_124 = arith.constant 0 : i32
    %cond3A_125 = arith.cmpi ne, %convert_element_type3A_123, %cond3A_124 : i32
    scf.if %cond3A_125 {
      %broadcast_in_dim3A = arith.constant 0.000000e+00 : f32
      %broadcast_in_dim3A_149 = vector.broadcast %broadcast_in_dim3A : f32 to vector<16xf32>
      %scan3A = arith.constant 0 : i32
      %scan3A_150 = arith.constant 0 : i32
      %scan3A_151 = arith.constant 32 : i32
      %scan3A_152 = arith.addi %scan3A_150, %scan3A_151 : i32
      %scan3A_153 = arith.constant 1 : i32
      scf.for %scan3A_155 = %scan3A_150 to %scan3A_152 step %scan3A_153  : i32 {
        %add3A_156 = arith.constant 64 : i32
        %add3A_157 = arith.addi %add3A_156, %scan3A_155 : i32
        %swap3A = arith.index_cast %add3A_157 : i32 to index
        %swap3A_158 = arith.constant 32 : index
        %swap3A_159 = tpu.vector_load %arg4[%swap3A, %swap3A_158] {strides = array<i32>} : memref<128x128xf32, #tpu.memory_space<vmem>>, vector<1x16xf32>,
        %swap3A_160 = vector.shape_cast %swap3A_159 : vector<1x16xf32> to vector<16xf32>
        %swap3A_161 = vector.shape_cast %broadcast_in_dim3A_149 : vector<16xf32> to vector<1x16xf32>
        tpu.vector_store %arg4[%swap3A, %swap3A_158], %swap3A_161 {strides = array<i32>} : memref<128x128xf32, #tpu.memory_space<vmem>>, vector<1x16xf32>,
        %add3A_162 = arith.constant 64 : i32
        %add3A_163 = arith.addi %add3A_162, %scan3A_155 : i32
        %swap3A_164 = arith.index_cast %add3A_163 : i32 to index
        %swap3A_165 = arith.constant 48 : index
        %swap3A_166 = tpu.vector_load %arg4[%swap3A_164, %swap3A_165] {strides = array<i32>} : memref<128x128xf32, #tpu.memory_space<vmem>>, vector<1x16xf32>,
        %swap3A_167 = vector.shape_cast %swap3A_166 : vector<1x16xf32> to vector<16xf32>
        %swap3A_168 = vector.shape_cast %broadcast_in_dim3A_149 : vector<16xf32> to vector<1x16xf32>
        tpu.vector_store %arg4[%swap3A_164, %swap3A_165], %swap3A_168 {strides = array<i32>} : memref<128x128xf32, #tpu.memory_space<vmem>>, vector<1x16xf32>,
      }
      %scan3A_154 = arith.constant 32 : i32
    } else {
    }
    %eq3A_126 = arith.constant 2 : i32
    %eq3A_127 = arith.cmpi eq, %select_n3A_32, %eq3A_126 : i32
    %convert_element_type3A_128 = arith.extui %eq3A_127 : i1 to i32
    %cond3A_129 = arith.constant 0 : i32
    %cond3A_130 = arith.cmpi ne, %convert_element_type3A_128, %cond3A_129 : i32
    scf.if %cond3A_130 {
      %broadcast_in_dim3A = arith.constant 0.000000e+00 : f32
      %broadcast_in_dim3A_149 = vector.broadcast %broadcast_in_dim3A : f32 to vector<16xf32>
      %scan3A = arith.constant 0 : i32
      %scan3A_150 = arith.constant 0 : i32
      %scan3A_151 = arith.constant 32 : i32
      %scan3A_152 = arith.addi %scan3A_150, %scan3A_151 : i32
      %scan3A_153 = arith.constant 1 : i32
      scf.for %scan3A_163 = %scan3A_150 to %scan3A_152 step %scan3A_153  : i32 {
        %add3A_164 = arith.constant 32 : i32
        %add3A_165 = arith.addi %add3A_164, %scan3A_163 : i32
        %swap3A = arith.index_cast %add3A_165 : i32 to index
        %swap3A_166 = arith.constant 64 : index
        %swap3A_167 = tpu.vector_load %arg4[%swap3A, %swap3A_166] {strides = array<i32>} : memref<128x128xf32, #tpu.memory_space<vmem>>, vector<1x16xf32>,
        %swap3A_168 = vector.shape_cast %swap3A_167 : vector<1x16xf32> to vector<16xf32>
        %swap3A_169 = vector.shape_cast %broadcast_in_dim3A_149 : vector<16xf32> to vector<1x16xf32>
        tpu.vector_store %arg4[%swap3A, %swap3A_166], %swap3A_169 {strides = array<i32>} : memref<128x128xf32, #tpu.memory_space<vmem>>, vector<1x16xf32>,
        %add3A_170 = arith.constant 32 : i32
        %add3A_171 = arith.addi %add3A_170, %scan3A_163 : i32
        %swap3A_172 = arith.index_cast %add3A_171 : i32 to index
        %swap3A_173 = arith.constant 80 : index
        %swap3A_174 = tpu.vector_load %arg4[%swap3A_172, %swap3A_173] {strides = array<i32>} : memref<128x128xf32, #tpu.memory_space<vmem>>, vector<1x16xf32>,
        %swap3A_175 = vector.shape_cast %swap3A_174 : vector<1x16xf32> to vector<16xf32>
        %swap3A_176 = vector.shape_cast %broadcast_in_dim3A_149 : vector<16xf32> to vector<1x16xf32>
        tpu.vector_store %arg4[%swap3A_172, %swap3A_173], %swap3A_176 {strides = array<i32>} : memref<128x128xf32, #tpu.memory_space<vmem>>, vector<1x16xf32>,
      }
      %scan3A_154 = arith.constant 32 : i32
      %broadcast_in_dim3A_155 = arith.constant 0.000000e+00 : f32
      %broadcast_in_dim3A_156 = vector.broadcast %broadcast_in_dim3A_155 : f32 to vector<16xf32>
      %scan3A_157 = arith.constant 0 : i32
      %scan3A_158 = arith.constant 0 : i32
      %scan3A_159 = arith.constant 32 : i32
      %scan3A_160 = arith.addi %scan3A_158, %scan3A_159 : i32
      %scan3A_161 = arith.constant 1 : i32
      scf.for %scan3A_163 = %scan3A_158 to %scan3A_160 step %scan3A_161  : i32 {
        %add3A_164 = arith.constant 64 : i32
        %add3A_165 = arith.addi %add3A_164, %scan3A_163 : i32
        %swap3A = arith.index_cast %add3A_165 : i32 to index
        %swap3A_166 = arith.constant 0 : index
        %swap3A_167 = tpu.vector_load %arg4[%swap3A, %swap3A_166] {strides = array<i32>} : memref<128x128xf32, #tpu.memory_space<vmem>>, vector<1x16xf32>,
        %swap3A_168 = vector.shape_cast %swap3A_167 : vector<1x16xf32> to vector<16xf32>
        %swap3A_169 = vector.shape_cast %broadcast_in_dim3A_156 : vector<16xf32> to vector<1x16xf32>
        tpu.vector_store %arg4[%swap3A, %swap3A_166], %swap3A_169 {strides = array<i32>} : memref<128x128xf32, #tpu.memory_space<vmem>>, vector<1x16xf32>,
        %add3A_170 = arith.constant 64 : i32
        %add3A_171 = arith.addi %add3A_170, %scan3A_163 : i32
        %swap3A_172 = arith.index_cast %add3A_171 : i32 to index
        %swap3A_173 = arith.constant 16 : index
        %swap3A_174 = tpu.vector_load %arg4[%swap3A_172, %swap3A_173] {strides = array<i32>} : memref<128x128xf32, #tpu.memory_space<vmem>>, vector<1x16xf32>,
        %swap3A_175 = vector.shape_cast %swap3A_174 : vector<1x16xf32> to vector<16xf32>
        %swap3A_176 = vector.shape_cast %broadcast_in_dim3A_156 : vector<16xf32> to vector<1x16xf32>
        tpu.vector_store %arg4[%swap3A_172, %swap3A_173], %swap3A_176 {strides = array<i32>} : memref<128x128xf32, #tpu.memory_space<vmem>>, vector<1x16xf32>,
      }
      %scan3A_162 = arith.constant 32 : i32
    } else {
    }
    %add3A_131 = arith.constant 896 : i32
    %add3A_132 = arith.addi %mul3A_2, %add3A_131 : i32
    %dma_start3A_133 = arith.constant 0 : i32
    %dma_start3A_134 = tpu.memref_slice %arg3[%add3A_132, %dma_start3A_133] : memref<32768x128xf32, #tpu.memory_space<hbm>> -> memref<128x128xf32, #tpu.memory_space<hbm>>
    %dma_start3A_135 = arith.constant 0 : i32
    %dma_start3A_136 = tpu.memref_slice %arg3[%add3A_132, %dma_start3A_135] : memref<32768x128xf32, #tpu.memory_space<hbm>> -> memref<128x128xf32, #tpu.memory_space<hbm>>
    tpu.enqueue_dma source(%arg4 : memref<128x128xf32, #tpu.memory_space<vmem>>) target(%dma_start3A_136 : memref<128x128xf32, #tpu.memory_space<hbm>>) target_semaphore(%arg10 : memref<!tpu.dma_semaphore, #tpu.memory_space<semaphore_mem>>)
    %dma_wait3A_137 = arith.constant 0 : i32
    %dma_wait3A_138 = tpu.memref_slice %arg3[%add3A_92, %dma_wait3A_137] : memref<32768x128xf32, #tpu.memory_space<hbm>> -> memref<384x128xf32, #tpu.memory_space<hbm>>
    %dma_wait3A_139 = arith.constant 0 : i32
    %dma_wait3A_140 = tpu.memref_slice %arg3[%add3A_92, %dma_wait3A_139] : memref<32768x128xf32, #tpu.memory_space<hbm>> -> memref<384x128xf32, #tpu.memory_space<hbm>>
    tpu.wait_dma2 semaphore(%arg11 : memref<!tpu.dma_semaphore, #tpu.memory_space<semaphore_mem>>) src(%arg5 : memref<384x128xf32, #tpu.memory_space<vmem>>) dst(%dma_wait3A_140 : memref<384x128xf32, #tpu.memory_space<hbm>>)
    %dma_wait3A_141 = arith.constant 0 : i32
    %dma_wait3A_142 = tpu.memref_slice %arg3[%add3A_112, %dma_wait3A_141] : memref<32768x128xf32, #tpu.memory_space<hbm>> -> memref<384x128xf32, #tpu.memory_space<hbm>>
    %dma_wait3A_143 = arith.constant 0 : i32
    %dma_wait3A_144 = tpu.memref_slice %arg3[%add3A_112, %dma_wait3A_143] : memref<32768x128xf32, #tpu.memory_space<hbm>> -> memref<384x128xf32, #tpu.memory_space<hbm>>
    tpu.wait_dma2 semaphore(%arg12 : memref<!tpu.dma_semaphore, #tpu.memory_space<semaphore_mem>>) src(%arg6 : memref<384x128xf32, #tpu.memory_space<vmem>>) dst(%dma_wait3A_144 : memref<384x128xf32, #tpu.memory_space<hbm>>)
    %dma_wait3A_145 = arith.constant 0 : i32
    %dma_wait3A_146 = tpu.memref_slice %arg3[%add3A_132, %dma_wait3A_145] : memref<32768x128xf32, #tpu.memory_space<hbm>> -> memref<128x128xf32, #tpu.memory_space<hbm>>
    %dma_wait3A_147 = arith.constant 0 : i32
    %dma_wait3A_148 = tpu.memref_slice %arg3[%add3A_132, %dma_wait3A_147] : memref<32768x128xf32, #tpu.memory_space<hbm>> -> memref<128x128xf32, #tpu.memory_space<hbm>>
    tpu.wait_dma2 semaphore(%arg10 : memref<!tpu.dma_semaphore, #tpu.memory_space<semaphore_mem>>) src(%arg4 : memref<128x128xf32, #tpu.memory_space<vmem>>) dst(%dma_wait3A_148 : memref<128x128xf32, #tpu.memory_space<hbm>>)
    return
  }
}

</mosaic_0001>

<sc_bundles>
// kernel: kernel.3.cloned.1.call-start
scs
__scs_entry_jumppad:
0x0: {  	(pc) =	sbr.rel $0x88, $3  }
0x1: {  	(tag) =	ssettag $0x0;
	lr =	simm.s32 $0x1  }
0x2: {  	[smem:$0x3FA0] =	sst lr;
	_ =	strace $0xD0000000  }
0x3: {  	_ = 	snop  }
0x4: {  	_ = 	snop  }
0x5: {  	_ = 	snop  }
0x6: {  	_ = 	snop  }
0x7: {  	_ = 	snop  }
__scs_overlays_trampoline_lowered:
0x8: {  	[smem:$0x3FAF] =	sst s0  }
0x9: {  	[smem:$0x3FB0] =	sst s1  }
0xa: {  	[smem:$0x3FB1] =	sst s2  }
0xb: {  	[smem:$0x3FB2] =	sst s3  }
0xc: {  	[smem:$0x3FB3] =	sst s4  }
0xd: {  	[smem:$0x3FB4] =	sst s5  }
0xe: {  	[smem:$0x3FB5] =	sst s6  }
0xf: {  	[smem:$0x3FB6] =	sst s7  }
0x10: {  	[smem:$0x3FB7] =	sst s8  }
0x11: {  	[smem:$0x3FB8] =	sst s9;
	s0 =	simm.s32 @!p0 $0x0  }
0x12: {  	s1 =	sld [smem:$0x3F9E];
	s0 =	simm.s32 @p0 $0x1  }
0x13: {  	[smem:$0x3FB9] =	sst s0;
	s0 =	simm.s32 @!p1 $0x0  }
0x14: {  	s2 =	sld [smem:$0x3F9D];
	s0 =	simm.s32 @p1 $0x1  }
0x15: {  	[smem:$0x3FBA] =	sst s0;
	s0 =	simm.s32 @!p2 $0x0  }
0x16: {  	s3 =	sld [smem:$0x3FDB];
	s0 =	simm.s32 @p2 $0x1  }
0x17: {  	s4 =	simm.s32 $0x1BF5;
	[smem:$0x3FBC] =	sst s0  }
0x18: {  	s0 =	sld [smem:$0x3F9F];
	_ =	swait.ge [sflag:s4], $0x0  }
0x19: {  	s7 =	sld [smem:$0x3FA0]  }
0x1a: {  	s8 =	sadd.s32 $0xFFFFE003, lr  }
0x1b: {  	s9 =	sadd.s32 $0xFFFFFEF7, lr;
	s5 =	simm.s32 $0xFFFFFFFF;
	p2 =	slt.u32 s8, $0xFFFFF086  }
0x1c: {  	p1 =	slt.u32 s9, $0xF7A;
	s5 =	simm.s32 @!p2 $0x0  }
0x1d: {  	s5 =	simm.s32 @p1 $0x1;
	p0 =	seq.s32 s7, s2  }
0x1e: {  	s7 =	smul.u32 @!p0 $0xF7A, s2;
	p2 =	seq.s32 @!p0 s5, $0x0  }
0x1f: {  	s9 =	smul.u32 $0xF7A, s1;
	s8 =	simm.s32 @!p0 $0x1BF5;
	p2 =	por !p2, p0  }
0x20: {  	[sflag:s8] =	ssyncset.s32 @!p0 $0xFFFFF086;
	s6 =	sadd.s32 @!p0 s3, s7;
	s7 =	simm.s32 @!p0 $0x108  }
0x21: {  	s3 =	sadd.s32 s3, s9;
	s6 =	sadd.s32 @!p0 $0x88, s6;
	s7 =	simm.s32 @p2 $0x1082  }
0x22: {  	[simem:s7], [sflag:s8] =	dma.local @!p0 [hbm:s6], $0xF7A  }
0x23: {  	s9 =	sor.u32 $0xD0000000, s2;
	s6 =	simm.s32 $0x108;
	_ =	swait.ge @!p0 [sflag:s8], $0x0  }
0x24: {  	s3 =	sadd.s32 $0x88, s3;
	s6 =	simm.s32 @!p1 $0x1082;
	[sflag:s4] =	ssyncset.s32 $0xFFFFF086  }
0x25: {  	[simem:s6], [sflag:s4] =	dma.local [hbm:s3], $0xF7A  }
0x26: {  	[smem:$0x3FA0] =	sst s1;
	(tag) =	ssettag s2;
	_ =	strace s9  }
0x27: {  	s1 =	sld [smem:$0x3FB0]  }
0x28: {  	s2 =	sld [smem:$0x3FB1]  }
0x29: {  	s4 =	sld [smem:$0x3FB3]  }
0x2a: {  	p0 =	seq.s32 s5, $0x0;
	s5 =	sld [smem:$0x3FB4]  }
0x2b: {  	s6 =	sld [smem:$0x3FB5]  }
0x2c: {  	s7 =	sld [smem:$0x3FB6]  }
0x2d: {  	s3 =	simm.s32 $0x108;
	s8 =	sld [smem:$0x3FB7]  }
0x2e: {  	s3 =	simm.s32 @!p0 $0x1082;
	s9 =	sld [smem:$0x3FB8]  }
0x2f: {  	lr =	sadd.s32 s0, s3;
	s0 =	sld [smem:$0x3FAF]  }
0x30: {  	s3 =	sld [smem:$0x3FB2]  }
0x31: {  	[smem:$0x3FBB] =	sst s10  }
0x32: {  	s10 =	sld [smem:$0x3FB9];
	_ =	sdelay $0x3  }
0x33: {  	p0 =	seq.s32 s10, $0x1;
	s10 =	sld [smem:$0x3FBB];
	_ =	sdelay $0x3  }
0x34: {  	[smem:$0x3FBB] =	sst s10  }
0x35: {  	s10 =	sld [smem:$0x3FBA];
	_ =	sdelay $0x3  }
0x36: {  	p1 =	seq.s32 s10, $0x1;
	s10 =	sld [smem:$0x3FBB];
	_ =	sdelay $0x3  }
0x37: {  	[smem:$0x3FBB] =	sst s10  }
0x38: {  	s10 =	sld [smem:$0x3FBC]  }
0x39: {  	_ = 	snop;
	(pc) =	sbr.ind lr, $3  }
0x3a: {  	_ = 	snop  }
0x3b: {  	_ = 	snop  }
0x3c: {  	p2 =	seq.s32 s10, $0x1;
	s10 =	sld [smem:$0x3FBB]  }
0x3d: {  	_ =	shalt  }
0x3e: {  	_ =	shalt  }
0x3f: {  	_ =	shalt  }
0x40: {  	_ =	shalt  }
0x41: {  	_ =	shalt  }
0x42: {  	_ =	shalt  }
0x43: {  	_ =	shalt  }
0x44: {  	_ =	shalt  }
0x45: {  	_ =	shalt  }
0x46: {  	_ =	shalt  }
0x47: {  	_ =	shalt  }
0x48: {  	_ =	shalt  }
0x49: {  	_ =	shalt  }
0x4a: {  	_ =	shalt  }
0x4b: {  	_ =	shalt  }
0x4c: {  	_ =	shalt  }
0x4d: {  	_ =	shalt  }
0x4e: {  	_ =	shalt  }
0x4f: {  	_ =	shalt  }
0x50: {  	_ =	shalt  }
0x51: {  	_ =	shalt  }
0x52: {  	_ =	shalt  }
0x53: {  	_ =	shalt  }
0x54: {  	_ =	shalt  }
0x55: {  	_ =	shalt  }
0x56: {  	_ =	shalt  }
0x57: {  	_ =	shalt  }
0x58: {  	_ =	shalt  }
0x59: {  	_ =	shalt  }
0x5a: {  	_ =	shalt  }
0x5b: {  	_ =	shalt  }
0x5c: {  	_ =	shalt  }
0x5d: {  	_ =	shalt  }
0x5e: {  	_ =	shalt  }
0x5f: {  	_ =	shalt  }
0x60: {  	_ =	shalt  }
0x61: {  	_ =	shalt  }
0x62: {  	_ =	shalt  }
0x63: {  	_ =	shalt  }
0x64: {  	_ =	shalt  }
0x65: {  	_ =	shalt  }
0x66: {  	_ =	shalt  }
0x67: {  	_ =	shalt  }
0x68: {  	_ =	shalt  }
0x69: {  	_ =	shalt  }
0x6a: {  	_ =	shalt  }
0x6b: {  	_ =	shalt  }
0x6c: {  	_ =	shalt  }
0x6d: {  	_ =	shalt  }
0x6e: {  	_ =	shalt  }
0x6f: {  	_ =	shalt  }
0x70: {  	_ =	shalt  }
0x71: {  	_ =	shalt  }
0x72: {  	_ =	shalt  }
0x73: {  	_ =	shalt  }
0x74: {  	_ =	shalt  }
0x75: {  	_ =	shalt  }
0x76: {  	_ =	shalt  }
0x77: {  	_ =	shalt  }
0x78: {  	_ =	shalt  }
0x79: {  	_ =	shalt  }
0x7a: {  	_ =	shalt  }
0x7b: {  	_ =	shalt  }
0x7c: {  	_ =	shalt  }
0x7d: {  	_ =	shalt  }
0x7e: {  	_ =	shalt  }
0x7f: {  	_ =	shalt  }
0x80: {  	_ =	shalt  }
0x81: {  	_ =	shalt  }
0x82: {  	_ =	shalt  }
0x83: {  	_ =	shalt  }
0x84: {  	_ =	shalt  }
0x85: {  	_ =	shalt  }
0x86: {  	_ =	shalt  }
0x87: {  	_ =	shalt  }
.Lfunc_end0:
.L_simem_size_0:
called_computation_lowered:
.L_overlay_start_0:
0x88: {  	s2 =	sld [smem:$0x3FD9]  }
0x89: {  	s3 =	sld [smem:$0x3FFE];
	_ =	sdelay $0x1  }
0x8a: {  	s1 =	srdreg.scid  }
0x8b: {  	s0 =	sand.u32 $0x1, s1  }
0x8c: {  	s18 =	sshll.u32 s0, $0xA;
	s2 =	sadd.s32 s3, s2  }
0x8d: {  	s2 =	sadd.s32 s2, s18  }
0x8e: {  	[smem:$0x3FC7] =	sst s2  }
0x8f: {  	_ = 	snop  }
0x90: {  	s2 =	sld [smem:$0x3FC9]  }
0x91: {  	s19 =	sld [smem:$0x3FD0];
	(tm) =	ssettm $0x1  }
0x92: {  	s4 =	sld [smem:$0x3FFB];
	_ =	sdelay $0x3  }
0x93: {  	_ =	strace s4  }
0x94: {  	s4 =	sld [smem:$0x3FFC];
	_ =	sdelay $0x3  }
0x95: {  	_ =	strace s4  }
0x96: {  	s4 =	sld [smem:$0x3FFD];
	_ =	sdelay $0x3  }
0x97: {  	_ =	strace s4  }
0x98: {  	_ =	strace $0x8FFFFFFF  }
0x99: {  	s20 =	sld [smem:$0x3FDB];
	_ =	sdelay $0x1  }
0x9a: {  	s5 =	simm.s32 $_scs_section_size  }
0x9b: {  	s6 =	simm.s32 $_size__tile_overlayer_lowered;
	s7 =	simm.s32 $_tile_overlayer_lowered  }
0x9c: {  	s23 =	simm.s32 $0x1BFF;
	s22 =	sshll.u32 s7, $0x1;
	s4 =	sadd.s32 s5, s20  }
0x9d: {  	s8 =	simm.s32 $0x0;
	s21 =	sshll.u32 s6, $0x1;
	s6 =	sadd.s32 s22, s4  }
0x9e: {  	[timem:s8], [sflag:s23] =	dma.local [hbm:s6], s21  }
0x9f: {  	_ =	swait.ge [sflag:s23], s21  }
0xa0: {  	s5 =	ssub.s32 $0x0, s21;
	[sflag:s23] =	ssyncset.done $0x0  }
0xa1: {  	[sflag:s23] =	ssyncadd.s32 s5;
	_ =	sdelay $0x1  }
0xa2: {  	s24 =	simm.s32 $0x1B8B  }
0xa3: {  	_ =	swait.ge [sflag:s24], $0x1  }
0xa4: {  	[sflag:s24] =	ssyncset.done $0x0  }
0xa5: {  	s25 =	simm.s32 $0x1B8E;
	[sflag:s24] =	ssyncadd.s32 $0xFFFFFFFF  }
0xa6: {  	s26 =	simm.s32 $execute0_lowered;
	[smem:$0x3FD2] =	sst s25  }
0xa7: {  	s5 =	sshll.u32 s26, $0x1;
	_ =	strace $0x80000046;
	[dreg:$0x1] =	wrdreg $0xFFFFFFFF  }
0xa8: {  	s28 =	simm.s32 $_size_execute0_lowered;
	s4 =	sadd.s32 s4, s5;
	[dreg:$0x0] =	wrdreg $0x0  }
0xa9: {  	s5 =	sshll.u32 s28, $0x1;
	[dreg:$0x2] =	wrdreg s4  }
0xaa: {  	[dreg:$0x3] =	wrdreg s5  }
0xab: {  	[dreg:$0x4] =	wrdreg $0xC0  }
0xac: {  	_ =	task [dreg:s8], $0x5FFFF  }
0xad: {  	[dreg:$0x1] =	wrdreg $0xFFFFFFFF  }
0xae: {  	[dreg:$0x0] =	wrdreg $0x60  }
0xaf: {  	[dreg:$0x2] =	wrdreg s2  }
0xb0: {  	[dreg:$0x3] =	wrdreg s19  }
0xb1: {  	[dreg:$0x4] =	wrdreg $0x9  }
0xb2: {  	_ =	task.clear_ibuf [dreg:s8], $0x5FFFF;
	_ =	strace $0x90000046  }
0xb3: {  	s29 =	simm.s32 $0x9;
	_ =	strace $0x80000048  }
0xb4: {  	_ =	swait.ge [sflag:s29], $0x1  }
0xb5: {  	[sflag:s29] =	ssyncadd.s32 $0xFFFFFFFF  }
0xb6: {  	_ =	strace $0x90000048  }
0xb7: {  	_ =	sfence  }
0xb8: {  	s30 =	sld [smem:$0x0];
	_ =	sdelay $0x2  }
0xb9: {  	s31 =	sshll.u32 s1, $0xD;
	s1 =	sshrl.u32 s1, $0x2  }
0xba: {  	s3 =	sand.u32 $0x4000, s31;
	s1 =	sadd.s32 s1, s30  }
0xbb: {  	s0 =	sor.u32 s3, s0;
	s1 =	sshll.u32 s1, $0x11  }
0xbc: {  	s0 =	sor.u32 s1, s0  }
0xbd: {  	s0 =	sadd.s32 $0x8F2B, s0  }
0xbe: {  	[sflag:s0] =	ssyncadd.remote.s32 $0x1  }
0xbf: {  	_ =	sfence.sel $0xFFFF  }
0xc0: {  	[dreg:$0x0] =	wrdreg $0xFFFFFFFF;
	(pc) =	sbr.abs _section_cstart, $3  }
0xc1: {  	[dreg:$0x1] =	wrdreg $0xFFFFFFFF  }
0xc2: {  	_ =	task.clear_ibuf [dreg:s8], $0x2FFFF;
	_ =	strace $0x9FFFFFFF  }
0xc3: {  	(tm) =	ssettm $0x7FFFFFFF  }
tec
execute0_lowered:
.L_overlay_start_1:
0x0: {  	(tag) =	ssettag $0x1  }
0x1: {  	s8 =	rddreg [dreg:$0x0];
	s0 =	srdreg.scid  }
0x2: {  	s11 =	rddreg [dreg:$0x1];
	s1 =	stileid.u32  }
0x3: {  	s2 =	simm.s32 $0x0;
	s15 =	simm.s32 $0x4;
	s16 =	simm.s32 $0x2  }
0x4: {  	s17 =	simm.s32 $0x3;
	s18 =	simm.s32 $0x5;
	s19 =	simm.s32 $0x6  }
0x5: {  	s3 =	sand.u32 $0x1, s0;
	s0 =	rddreg [dreg:$0x2];
	s5 =	sand.u32 $0x3, s1  }
0x6: {  	[smem:$0x7FF] =	sst s2;
	s7 =	sshrl.u32 s1, $0x2;
	s4 =	sshll.u32 s3, $0x4  }
0x7: {  	p1 =	sne.s32 s5, $0x0;
	_ =	strace $0x80000047;
	s3 =	ssub.s32 $0x2, s3  }
0x8: {  	s5 =	simm.s32 $0x1;
	s4 =	sor.u32 s1, s4;
	s6 =	sshrl.u32 s3, $0x1  }
0x9: {  	p0 =	seq.s32 s4, $0x0;
	s12 =	ssub.s32 s3, s6;
	s9 =	sshll.u32 s4, $0xE  }
0xa: {  	s3 =	simm.s32 $0x1;
	p0 =	por !p1, !p0;
	s10 =	sor.u32 $0x800, s9  }
0xb: {  	s4 =	sadd.s32 s8, s9;
	s13 =	sor.u32 $0x2000, s9;
	p0 =	por !p0, !p0  }
0xc: {  	s14 =	sor.u32 $0x3800, s9;
	s12 =	smax.u32 s12, $0x1;
	s5 =	simm.s32 @!p0 $0x0  }
.Ltmp0:
0xd: {  	s6 =	sadd.s32 s8, s13;
	s5 =	ssub.s32 s7, s5;
	(pc) =	sbr.rel .LBB2_1-.Ltmp0, $4  }
0xe: {  	s7 =	sadd.s32 s11, s9;
	s9 =	sadd.s32 s11, s10;
	s20 =	sand.u32 $0x3, s5  }
0xf: {  	s5 =	sadd.s32 s8, s10;
	s8 =	sadd.s32 s8, s14;
	s10 =	sadd.s32 s11, s13  }
0x10: {  	s11 =	sadd.s32 s11, s14;
	s13 =	simm.s32 $0x4000;
	s14 =	simm.s32 $0x10000  }
0x11: {  	v0 =	vimm.f32 $0.0e+00;
	p0 =	seq.s32 s20, $0x2;
	p1 =	sne.s32 s20, $0x1;
	s20 =	simm.s32 $0x0  }
.LBB2_28:
0x12: {  	[tilespmem:$0x1040] =	vst v0  }
0x13: {  	[tilespmem:$0x1050] =	vst v0  }
0x14: {  	[tilespmem:$0x10C0] =	vst v0  }
0x15: {  	[tilespmem:$0x10D0] =	vst v0  }
0x16: {  	[tilespmem:$0x1140] =	vst v0  }
0x17: {  	[tilespmem:$0x1150] =	vst v0  }
0x18: {  	[tilespmem:$0x11C0] =	vst v0  }
0x19: {  	[tilespmem:$0x11D0] =	vst v0  }
0x1a: {  	[tilespmem:$0x1240] =	vst v0  }
0x1b: {  	[tilespmem:$0x1250] =	vst v0  }
0x1c: {  	[tilespmem:$0x12C0] =	vst v0  }
0x1d: {  	[tilespmem:$0x12D0] =	vst v0  }
0x1e: {  	[tilespmem:$0x1340] =	vst v0  }
0x1f: {  	[tilespmem:$0x1350] =	vst v0  }
0x20: {  	[tilespmem:$0x13C0] =	vst v0  }
0x21: {  	[tilespmem:$0x13D0] =	vst v0  }
0x22: {  	[tilespmem:$0x1440] =	vst v0  }
0x23: {  	[tilespmem:$0x1450] =	vst v0  }
0x24: {  	[tilespmem:$0x14C0] =	vst v0  }
0x25: {  	[tilespmem:$0x14D0] =	vst v0  }
0x26: {  	[tilespmem:$0x1540] =	vst v0  }
0x27: {  	[tilespmem:$0x1550] =	vst v0  }
0x28: {  	[tilespmem:$0x15C0] =	vst v0  }
0x29: {  	[tilespmem:$0x15D0] =	vst v0  }
0x2a: {  	[tilespmem:$0x1640] =	vst v0  }
0x2b: {  	[tilespmem:$0x1650] =	vst v0  }
0x2c: {  	[tilespmem:$0x16C0] =	vst v0  }
0x2d: {  	[tilespmem:$0x16D0] =	vst v0  }
0x2e: {  	[tilespmem:$0x1740] =	vst v0  }
0x2f: {  	[tilespmem:$0x1750] =	vst v0  }
0x30: {  	[tilespmem:$0x17C0] =	vst v0  }
0x31: {  	[tilespmem:$0x17D0] =	vst v0  }
0x32: {  	[tilespmem:$0x1840] =	vst v0  }
0x33: {  	[tilespmem:$0x1850] =	vst v0  }
0x34: {  	[tilespmem:$0x18C0] =	vst v0  }
0x35: {  	[tilespmem:$0x18D0] =	vst v0  }
0x36: {  	[tilespmem:$0x1940] =	vst v0  }
0x37: {  	[tilespmem:$0x1950] =	vst v0  }
0x38: {  	[tilespmem:$0x19C0] =	vst v0  }
0x39: {  	[tilespmem:$0x19D0] =	vst v0  }
0x3a: {  	[tilespmem:$0x1A40] =	vst v0  }
0x3b: {  	[tilespmem:$0x1A50] =	vst v0  }
0x3c: {  	[tilespmem:$0x1AC0] =	vst v0  }
0x3d: {  	[tilespmem:$0x1AD0] =	vst v0  }
0x3e: {  	[tilespmem:$0x1B40] =	vst v0  }
0x3f: {  	[tilespmem:$0x1B50] =	vst v0  }
0x40: {  	[tilespmem:$0x1BC0] =	vst v0  }
0x41: {  	[tilespmem:$0x1BD0] =	vst v0  }
0x42: {  	[tilespmem:$0x1C40] =	vst v0  }
0x43: {  	[tilespmem:$0x1C50] =	vst v0  }
0x44: {  	[tilespmem:$0x1CC0] =	vst v0  }
0x45: {  	[tilespmem:$0x1CD0] =	vst v0  }
0x46: {  	[tilespmem:$0x1D40] =	vst v0  }
0x47: {  	[tilespmem:$0x1D50] =	vst v0  }
0x48: {  	[tilespmem:$0x1DC0] =	vst v0  }
0x49: {  	[tilespmem:$0x1DD0] =	vst v0  }
0x4a: {  	[tilespmem:$0x1E40] =	vst v0  }
0x4b: {  	[tilespmem:$0x1E50] =	vst v0  }
0x4c: {  	[tilespmem:$0x1EC0] =	vst v0  }
0x4d: {  	[tilespmem:$0x1ED0] =	vst v0  }
0x4e: {  	[tilespmem:$0x1F40] =	vst v0  }
0x4f: {  	[tilespmem:$0x1F50] =	vst v0  }
0x50: {  	[tilespmem:$0x1FC0] =	vst v0  }
0x51: {  	[tilespmem:$0x1FD0] =	vst v0  }
0x52: {  	[tilespmem:$0x2000] =	vst v0  }
0x53: {  	[tilespmem:$0x2010] =	vst v0  }
0x54: {  	[tilespmem:$0x2080] =	vst v0  }
0x55: {  	[tilespmem:$0x2090] =	vst v0  }
0x56: {  	[tilespmem:$0x2100] =	vst v0  }
0x57: {  	[tilespmem:$0x2110] =	vst v0  }
0x58: {  	[tilespmem:$0x2180] =	vst v0  }
0x59: {  	[tilespmem:$0x2190] =	vst v0  }
0x5a: {  	[tilespmem:$0x2200] =	vst v0  }
0x5b: {  	[tilespmem:$0x2210] =	vst v0  }
0x5c: {  	[tilespmem:$0x2280] =	vst v0  }
0x5d: {  	[tilespmem:$0x2290] =	vst v0  }
0x5e: {  	[tilespmem:$0x2300] =	vst v0  }
0x5f: {  	[tilespmem:$0x2310] =	vst v0  }
0x60: {  	[tilespmem:$0x2380] =	vst v0  }
0x61: {  	[tilespmem:$0x2390] =	vst v0  }
0x62: {  	[tilespmem:$0x2400] =	vst v0  }
0x63: {  	[tilespmem:$0x2410] =	vst v0  }
0x64: {  	[tilespmem:$0x2480] =	vst v0  }
0x65: {  	[tilespmem:$0x2490] =	vst v0  }
0x66: {  	[tilespmem:$0x2500] =	vst v0  }
0x67: {  	[tilespmem:$0x2510] =	vst v0  }
0x68: {  	[tilespmem:$0x2580] =	vst v0  }
0x69: {  	[tilespmem:$0x2590] =	vst v0  }
0x6a: {  	[tilespmem:$0x2600] =	vst v0  }
0x6b: {  	[tilespmem:$0x2610] =	vst v0  }
0x6c: {  	[tilespmem:$0x2680] =	vst v0  }
0x6d: {  	[tilespmem:$0x2690] =	vst v0  }
0x6e: {  	[tilespmem:$0x2700] =	vst v0  }
0x6f: {  	[tilespmem:$0x2710] =	vst v0  }
0x70: {  	[tilespmem:$0x2780] =	vst v0  }
0x71: {  	[tilespmem:$0x2790] =	vst v0  }
0x72: {  	[tilespmem:$0x2800] =	vst v0  }
0x73: {  	[tilespmem:$0x2810] =	vst v0  }
0x74: {  	[tilespmem:$0x2880] =	vst v0  }
0x75: {  	[tilespmem:$0x2890] =	vst v0  }
0x76: {  	[tilespmem:$0x2900] =	vst v0  }
0x77: {  	[tilespmem:$0x2910] =	vst v0  }
0x78: {  	[tilespmem:$0x2980] =	vst v0  }
0x79: {  	[tilespmem:$0x2990] =	vst v0  }
0x7a: {  	[tilespmem:$0x2A00] =	vst v0  }
0x7b: {  	[tilespmem:$0x2A10] =	vst v0  }
0x7c: {  	[tilespmem:$0x2A80] =	vst v0  }
0x7d: {  	[tilespmem:$0x2A90] =	vst v0  }
0x7e: {  	[tilespmem:$0x2B00] =	vst v0  }
0x7f: {  	[tilespmem:$0x2B10] =	vst v0  }
0x80: {  	[tilespmem:$0x2B80] =	vst v0  }
0x81: {  	[tilespmem:$0x2B90] =	vst v0  }
0x82: {  	[tilespmem:$0x2C00] =	vst v0  }
0x83: {  	[tilespmem:$0x2C10] =	vst v0  }
0x84: {  	[tilespmem:$0x2C80] =	vst v0  }
0x85: {  	[tilespmem:$0x2C90] =	vst v0  }
0x86: {  	[tilespmem:$0x2D00] =	vst v0  }
0x87: {  	[tilespmem:$0x2D10] =	vst v0  }
0x88: {  	[tilespmem:$0x2D80] =	vst v0  }
0x89: {  	[tilespmem:$0x2D90] =	vst v0  }
0x8a: {  	[tilespmem:$0x2E00] =	vst v0  }
0x8b: {  	[tilespmem:$0x2E10] =	vst v0  }
0x8c: {  	[tilespmem:$0x2E80] =	vst v0  }
0x8d: {  	[tilespmem:$0x2E90] =	vst v0  }
0x8e: {  	[tilespmem:$0x2F00] =	vst v0  }
0x8f: {  	[tilespmem:$0x2F10] =	vst v0  }
0x90: {  	[tilespmem:$0x2F80] =	vst v0  }
0x91: {  	[tilespmem:$0x2F90] =	vst v0  }
.LBB2_29:
0x92: {  	[hbm4b:s11+s2] =	stream.linear.scatter [tilespmem:s2], [sflag:$0x4], $0x4000, $0x38;
	[tilespmem:$0x1C000] =	vst v63  }
0x93: {  	_ =	swait.ge [sflag:s18], $0xC000  }
0x94: {  	[sflag:s18] =	ssyncset.done $0x0  }
0x95: {  	s20 =	sadd.s32 $0x1, s20;
	[sflag:s18] =	ssyncadd.s32 $0xFFFF4000  }
0x96: {  	p2 =	sne.s32 s20, s12;
	_ =	swait.ge [sflag:s19], $0xC000  }
.Ltmp1:
0x97: {  	[sflag:s19] =	ssyncset.done $0x0;
	(pc) =	sbr.rel @!p2 .LBB2_30-.Ltmp1, $4  }
0x98: {  	[sflag:s19] =	ssyncadd.s32 $0xFFFF4000  }
0x99: {  	_ =	swait.ge [sflag:s15], $0x4000  }
0x9a: {  	[sflag:s15] =	ssyncset.done $0x0  }
0x9b: {  	[sflag:s15] =	ssyncadd.s32 $0xFFFFC000  }
.LBB2_1:
0x9c: {  	[tilespmem:s2], [sflag:$0x1] =	stream.linear.gather [hbm4b:s4+s2], $0x4000, $0x38;
	[tilespmem:$0x1C000] =	vst v63  }
0x9d: {  	_ = 	snop  }
0x9e: {  	[tilespmem:s13], [sflag:$0x2] =	stream.linear.gather [hbm4b:s5+s2], $0xC000, $0x38;
	[tilespmem:$0x1C000] =	vst v63  }
.Ltmp2:
0x9f: {  	_ = 	snop;
	(pc) =	sbr.rel @p0 .LBB2_4-.Ltmp2, $4  }
0xa0: {  	[tilespmem:s14], [sflag:$0x3] =	stream.linear.gather [hbm4b:s6+s2], $0xC000, $0x38;
	[tilespmem:$0x1C000] =	vst v63  }
0xa1: {  	_ =	swait.ge [sflag:s3], $0x4000  }
0xa2: {  	[sflag:s3] =	ssyncset.done $0x0  }
0xa3: {  	[sflag:s3] =	ssyncadd.s32 $0xFFFFC000  }
.Ltmp3:
0xa4: {  	(pc) =	sbr.rel @p1 .LBB2_5-.Ltmp3, $1  }
0xa5: {  	_ =	sdelay $0x3  }
0xa6: {  	[tilespmem:$0x2020] =	vst v0  }
0xa7: {  	[tilespmem:$0x2030] =	vst v0  }
0xa8: {  	[tilespmem:$0x20A0] =	vst v0  }
0xa9: {  	[tilespmem:$0x20B0] =	vst v0  }
0xaa: {  	[tilespmem:$0x2120] =	vst v0  }
0xab: {  	[tilespmem:$0x2130] =	vst v0  }
0xac: {  	[tilespmem:$0x21A0] =	vst v0  }
0xad: {  	[tilespmem:$0x21B0] =	vst v0  }
0xae: {  	[tilespmem:$0x2220] =	vst v0  }
0xaf: {  	[tilespmem:$0x2230] =	vst v0  }
0xb0: {  	[tilespmem:$0x22A0] =	vst v0  }
0xb1: {  	[tilespmem:$0x22B0] =	vst v0  }
0xb2: {  	[tilespmem:$0x2320] =	vst v0  }
0xb3: {  	[tilespmem:$0x2330] =	vst v0  }
0xb4: {  	[tilespmem:$0x23A0] =	vst v0  }
0xb5: {  	[tilespmem:$0x23B0] =	vst v0  }
0xb6: {  	[tilespmem:$0x2420] =	vst v0  }
0xb7: {  	[tilespmem:$0x2430] =	vst v0  }
0xb8: {  	[tilespmem:$0x24A0] =	vst v0  }
0xb9: {  	[tilespmem:$0x24B0] =	vst v0  }
0xba: {  	[tilespmem:$0x2520] =	vst v0  }
0xbb: {  	[tilespmem:$0x2530] =	vst v0  }
0xbc: {  	[tilespmem:$0x25A0] =	vst v0  }
0xbd: {  	[tilespmem:$0x25B0] =	vst v0  }
0xbe: {  	[tilespmem:$0x2620] =	vst v0  }
0xbf: {  	[tilespmem:$0x2630] =	vst v0  }
0xc0: {  	[tilespmem:$0x26A0] =	vst v0  }
0xc1: {  	[tilespmem:$0x26B0] =	vst v0  }
0xc2: {  	[tilespmem:$0x2720] =	vst v0  }
0xc3: {  	[tilespmem:$0x2730] =	vst v0  }
0xc4: {  	[tilespmem:$0x27A0] =	vst v0  }
0xc5: {  	[tilespmem:$0x27B0] =	vst v0  }
0xc6: {  	[tilespmem:$0x2820] =	vst v0  }
0xc7: {  	[tilespmem:$0x2830] =	vst v0  }
0xc8: {  	[tilespmem:$0x28A0] =	vst v0  }
0xc9: {  	[tilespmem:$0x28B0] =	vst v0  }
0xca: {  	[tilespmem:$0x2920] =	vst v0  }
0xcb: {  	[tilespmem:$0x2930] =	vst v0  }
0xcc: {  	[tilespmem:$0x29A0] =	vst v0  }
0xcd: {  	[tilespmem:$0x29B0] =	vst v0  }
0xce: {  	[tilespmem:$0x2A20] =	vst v0  }
0xcf: {  	[tilespmem:$0x2A30] =	vst v0  }
0xd0: {  	[tilespmem:$0x2AA0] =	vst v0  }
0xd1: {  	[tilespmem:$0x2AB0] =	vst v0  }
0xd2: {  	[tilespmem:$0x2B20] =	vst v0  }
0xd3: {  	[tilespmem:$0x2B30] =	vst v0  }
0xd4: {  	[tilespmem:$0x2BA0] =	vst v0  }
0xd5: {  	[tilespmem:$0x2BB0] =	vst v0  }
0xd6: {  	[tilespmem:$0x2C20] =	vst v0  }
0xd7: {  	[tilespmem:$0x2C30] =	vst v0  }
0xd8: {  	[tilespmem:$0x2CA0] =	vst v0  }
0xd9: {  	[tilespmem:$0x2CB0] =	vst v0  }
0xda: {  	[tilespmem:$0x2D20] =	vst v0  }
0xdb: {  	[tilespmem:$0x2D30] =	vst v0  }
0xdc: {  	[tilespmem:$0x2DA0] =	vst v0  }
0xdd: {  	[tilespmem:$0x2DB0] =	vst v0  }
0xde: {  	[tilespmem:$0x2E20] =	vst v0  }
0xdf: {  	[tilespmem:$0x2E30] =	vst v0  }
0xe0: {  	[tilespmem:$0x2EA0] =	vst v0  }
.Ltmp4:
0xe1: {  	[tilespmem:$0x2EB0] =	vst v0;
	(pc) =	sbr.rel .LBB2_5-.Ltmp4, $4  }
0xe2: {  	[tilespmem:$0x2F20] =	vst v0  }
0xe3: {  	[tilespmem:$0x2F30] =	vst v0  }
0xe4: {  	[tilespmem:$0x2FA0] =	vst v0  }
0xe5: {  	[tilespmem:$0x2FB0] =	vst v0  }
.LBB2_4:
0xe6: {  	[tilespmem:$0x1040] =	vst v0  }
0xe7: {  	[tilespmem:$0x1050] =	vst v0  }
0xe8: {  	[tilespmem:$0x10C0] =	vst v0  }
0xe9: {  	[tilespmem:$0x10D0] =	vst v0  }
0xea: {  	[tilespmem:$0x1140] =	vst v0  }
0xeb: {  	[tilespmem:$0x1150] =	vst v0  }
0xec: {  	[tilespmem:$0x11C0] =	vst v0  }
0xed: {  	[tilespmem:$0x11D0] =	vst v0  }
0xee: {  	[tilespmem:$0x1240] =	vst v0  }
0xef: {  	[tilespmem:$0x1250] =	vst v0  }
0xf0: {  	[tilespmem:$0x12C0] =	vst v0  }
0xf1: {  	[tilespmem:$0x12D0] =	vst v0  }
0xf2: {  	[tilespmem:$0x1340] =	vst v0  }
0xf3: {  	[tilespmem:$0x1350] =	vst v0  }
0xf4: {  	[tilespmem:$0x13C0] =	vst v0  }
0xf5: {  	[tilespmem:$0x13D0] =	vst v0  }
0xf6: {  	[tilespmem:$0x1440] =	vst v0  }
0xf7: {  	[tilespmem:$0x1450] =	vst v0  }
0xf8: {  	[tilespmem:$0x14C0] =	vst v0  }
0xf9: {  	[tilespmem:$0x14D0] =	vst v0  }
0xfa: {  	[tilespmem:$0x1540] =	vst v0  }
0xfb: {  	[tilespmem:$0x1550] =	vst v0  }
0xfc: {  	[tilespmem:$0x15C0] =	vst v0  }
0xfd: {  	[tilespmem:$0x15D0] =	vst v0  }
0xfe: {  	[tilespmem:$0x1640] =	vst v0  }
0xff: {  	[tilespmem:$0x1650] =	vst v0  }
0x100: {  	[tilespmem:$0x16C0] =	vst v0  }
0x101: {  	[tilespmem:$0x16D0] =	vst v0  }
0x102: {  	[tilespmem:$0x1740] =	vst v0  }
0x103: {  	[tilespmem:$0x1750] =	vst v0  }
0x104: {  	[tilespmem:$0x17C0] =	vst v0  }
0x105: {  	[tilespmem:$0x17D0] =	vst v0  }
0x106: {  	[tilespmem:$0x1840] =	vst v0  }
0x107: {  	[tilespmem:$0x1850] =	vst v0  }
0x108: {  	[tilespmem:$0x18C0] =	vst v0  }
0x109: {  	[tilespmem:$0x18D0] =	vst v0  }
0x10a: {  	[tilespmem:$0x1940] =	vst v0  }
0x10b: {  	[tilespmem:$0x1950] =	vst v0  }
0x10c: {  	[tilespmem:$0x19C0] =	vst v0  }
0x10d: {  	[tilespmem:$0x19D0] =	vst v0  }
0x10e: {  	[tilespmem:$0x1A40] =	vst v0  }
0x10f: {  	[tilespmem:$0x1A50] =	vst v0  }
0x110: {  	[tilespmem:$0x1AC0] =	vst v0  }
0x111: {  	[tilespmem:$0x1AD0] =	vst v0  }
0x112: {  	[tilespmem:$0x1B40] =	vst v0  }
0x113: {  	[tilespmem:$0x1B50] =	vst v0  }
0x114: {  	[tilespmem:$0x1BC0] =	vst v0  }
0x115: {  	[tilespmem:$0x1BD0] =	vst v0  }
0x116: {  	[tilespmem:$0x1C40] =	vst v0  }
0x117: {  	[tilespmem:$0x1C50] =	vst v0  }
0x118: {  	[tilespmem:$0x1CC0] =	vst v0  }
0x119: {  	[tilespmem:$0x1CD0] =	vst v0  }
0x11a: {  	[tilespmem:$0x1D40] =	vst v0  }
0x11b: {  	[tilespmem:$0x1D50] =	vst v0  }
0x11c: {  	[tilespmem:$0x1DC0] =	vst v0  }
0x11d: {  	[tilespmem:$0x1DD0] =	vst v0  }
0x11e: {  	[tilespmem:$0x1E40] =	vst v0  }
0x11f: {  	[tilespmem:$0x1E50] =	vst v0  }
0x120: {  	[tilespmem:$0x1EC0] =	vst v0  }
0x121: {  	[tilespmem:$0x1ED0] =	vst v0  }
0x122: {  	[tilespmem:$0x1F40] =	vst v0  }
0x123: {  	[tilespmem:$0x1F50] =	vst v0  }
0x124: {  	[tilespmem:$0x1FC0] =	vst v0  }
0x125: {  	[tilespmem:$0x1FD0] =	vst v0  }
0x126: {  	[tilespmem:$0x2000] =	vst v0  }
0x127: {  	[tilespmem:$0x2010] =	vst v0  }
0x128: {  	[tilespmem:$0x2080] =	vst v0  }
0x129: {  	[tilespmem:$0x2090] =	vst v0  }
0x12a: {  	[tilespmem:$0x2100] =	vst v0  }
0x12b: {  	[tilespmem:$0x2110] =	vst v0  }
0x12c: {  	[tilespmem:$0x2180] =	vst v0  }
0x12d: {  	[tilespmem:$0x2190] =	vst v0  }
0x12e: {  	[tilespmem:$0x2200] =	vst v0  }
0x12f: {  	[tilespmem:$0x2210] =	vst v0  }
0x130: {  	[tilespmem:$0x2280] =	vst v0  }
0x131: {  	[tilespmem:$0x2290] =	vst v0  }
0x132: {  	[tilespmem:$0x2300] =	vst v0  }
0x133: {  	[tilespmem:$0x2310] =	vst v0  }
0x134: {  	[tilespmem:$0x2380] =	vst v0  }
0x135: {  	[tilespmem:$0x2390] =	vst v0  }
0x136: {  	[tilespmem:$0x2400] =	vst v0  }
0x137: {  	[tilespmem:$0x2410] =	vst v0  }
0x138: {  	[tilespmem:$0x2480] =	vst v0  }
0x139: {  	[tilespmem:$0x2490] =	vst v0  }
0x13a: {  	[tilespmem:$0x2500] =	vst v0  }
0x13b: {  	[tilespmem:$0x2510] =	vst v0  }
0x13c: {  	[tilespmem:$0x2580] =	vst v0  }
0x13d: {  	[tilespmem:$0x2590] =	vst v0  }
0x13e: {  	[tilespmem:$0x2600] =	vst v0  }
0x13f: {  	[tilespmem:$0x2610] =	vst v0  }
0x140: {  	[tilespmem:$0x2680] =	vst v0  }
0x141: {  	[tilespmem:$0x2690] =	vst v0  }
0x142: {  	[tilespmem:$0x2700] =	vst v0  }
0x143: {  	[tilespmem:$0x2710] =	vst v0  }
0x144: {  	[tilespmem:$0x2780] =	vst v0  }
0x145: {  	[tilespmem:$0x2790] =	vst v0  }
0x146: {  	[tilespmem:$0x2800] =	vst v0  }
0x147: {  	[tilespmem:$0x2810] =	vst v0  }
0x148: {  	[tilespmem:$0x2880] =	vst v0  }
0x149: {  	[tilespmem:$0x2890] =	vst v0  }
0x14a: {  	[tilespmem:$0x2900] =	vst v0  }
0x14b: {  	[tilespmem:$0x2910] =	vst v0  }
0x14c: {  	[tilespmem:$0x2980] =	vst v0  }
0x14d: {  	[tilespmem:$0x2990] =	vst v0  }
0x14e: {  	[tilespmem:$0x2A00] =	vst v0  }
0x14f: {  	[tilespmem:$0x2A10] =	vst v0  }
0x150: {  	[tilespmem:$0x2A80] =	vst v0  }
0x151: {  	[tilespmem:$0x2A90] =	vst v0  }
0x152: {  	[tilespmem:$0x2B00] =	vst v0  }
0x153: {  	[tilespmem:$0x2B10] =	vst v0  }
0x154: {  	[tilespmem:$0x2B80] =	vst v0  }
0x155: {  	[tilespmem:$0x2B90] =	vst v0  }
0x156: {  	[tilespmem:$0x2C00] =	vst v0  }
0x157: {  	[tilespmem:$0x2C10] =	vst v0  }
0x158: {  	[tilespmem:$0x2C80] =	vst v0  }
0x159: {  	[tilespmem:$0x2C90] =	vst v0  }
0x15a: {  	[tilespmem:$0x2D00] =	vst v0  }
0x15b: {  	[tilespmem:$0x2D10] =	vst v0  }
0x15c: {  	[tilespmem:$0x2D80] =	vst v0  }
0x15d: {  	[tilespmem:$0x2D90] =	vst v0  }
0x15e: {  	[tilespmem:$0x2E00] =	vst v0  }
0x15f: {  	[tilespmem:$0x2E10] =	vst v0  }
0x160: {  	[tilespmem:$0x2E80] =	vst v0  }
0x161: {  	[tilespmem:$0x2E90] =	vst v0  }
0x162: {  	[tilespmem:$0x2F00] =	vst v0  }
0x163: {  	[tilespmem:$0x2F10] =	vst v0  }
0x164: {  	[tilespmem:$0x2F80] =	vst v0  }
0x165: {  	[tilespmem:$0x2F90] =	vst v0  }
.LBB2_5:
0x166: {  	s21 =	simm.s32 $0x0  }
0x167: {  	[hbm4b:s7+s21] =	stream.linear.scatter [tilespmem:s21], [sflag:$0x4], $0x4000, $0x38;
	[tilespmem:$0x1C000] =	vst v63  }
0x168: {  	_ =	swait.ge [sflag:s15], $0x4000  }
0x169: {  	[sflag:s15] =	ssyncset.done $0x0  }
.Ltmp5:
0x16a: {  	[sflag:s15] =	ssyncadd.s32 $0xFFFFC000;
	(pc) =	sbr.rel @p0 .LBB2_10-.Ltmp5, $4  }
0x16b: {  	[tilespmem:s21], [sflag:$0x1] =	stream.linear.gather [hbm4b:s8+s21], $0x4000, $0x38;
	[tilespmem:$0x1C000] =	vst v63  }
0x16c: {  	_ =	swait.ge [sflag:s16], $0xC000  }
0x16d: {  	[sflag:s16] =	ssyncset.done $0x0  }
0x16e: {  	[sflag:s16] =	ssyncadd.s32 $0xFFFF4000  }
.Ltmp6:
0x16f: {  	(pc) =	sbr.rel @p1 .LBB2_15-.Ltmp6, $1  }
0x170: {  	_ =	sdelay $0x3  }
0x171: {  	s22 =	sshra.s32 s21, $0x2  }
0x172: {  	[tilespmem:s22+$0xE030] =	vst v0  }
0x173: {  	[tilespmem:s22+$0x6020] =	vst v0  }
0x174: {  	[tilespmem:s22+$0x6030] =	vst v0  }
0x175: {  	[tilespmem:s22+$0xA020] =	vst v0  }
0x176: {  	s21 =	sadd.s32 $0x200, s21;
	[tilespmem:s22+$0xA030] =	vst v0  }
.LBB2_8:
0x177: {  	p2 =	seq.s32 s21, $0x3E00;
	[tilespmem:s22+$0xE020] =	vst v0;
	s22 =	sshra.s32 s21, $0x2;
	s21 =	sadd.s32 $0x200, s21  }
.Ltmp7:
0x178: {  	[tilespmem:s22+$0xE030] =	vst v0;
	(pc) =	sbr.rel @!p2 .LBB2_8-.Ltmp7, $4  }
0x179: {  	[tilespmem:s22+$0x6020] =	vst v0  }
0x17a: {  	[tilespmem:s22+$0x6030] =	vst v0  }
0x17b: {  	[tilespmem:s22+$0xA020] =	vst v0  }
0x17c: {  	[tilespmem:s22+$0xA030] =	vst v0  }
.Ltmp8:
0x17d: {  	(pc) =	sbr.rel .LBB2_15-.Ltmp8, $2  }
0x17e: {  	_ =	sdelay $0x2  }
0x17f: {  	[tilespmem:s22+$0xE020] =	vst v0  }
.LBB2_10:
0x180: {  	s22 =	sshra.s32 s21, $0x2  }
0x181: {  	[tilespmem:s22+$0xD050] =	vst v0  }
0x182: {  	[tilespmem:s22+$0x5040] =	vst v0  }
0x183: {  	[tilespmem:s22+$0x5050] =	vst v0  }
0x184: {  	[tilespmem:s22+$0x9040] =	vst v0  }
0x185: {  	s21 =	sadd.s32 $0x200, s21;
	[tilespmem:s22+$0x9050] =	vst v0  }
.LBB2_11:
0x186: {  	p2 =	sne.s32 s21, $0x3E00;
	[tilespmem:s22+$0xD040] =	vst v0;
	s22 =	sshra.s32 s21, $0x2;
	s21 =	sadd.s32 $0x200, s21  }
.Ltmp9:
0x187: {  	[tilespmem:s22+$0xD050] =	vst v0;
	(pc) =	sbr.rel @p2 .LBB2_11-.Ltmp9, $4  }
0x188: {  	[tilespmem:s22+$0x5040] =	vst v0  }
0x189: {  	[tilespmem:s22+$0x5050] =	vst v0  }
0x18a: {  	[tilespmem:s22+$0x9040] =	vst v0  }
0x18b: {  	[tilespmem:s22+$0x9050] =	vst v0  }
0x18c: {  	[tilespmem:s22+$0xD040] =	vst v0;
	s21 =	simm.s32 $0x0  }
0x18d: {  	[tilespmem:s21+$0xE010] =	vst v0  }
0x18e: {  	[tilespmem:s21+$0x6000] =	vst v0  }
0x18f: {  	[tilespmem:s21+$0x6010] =	vst v0  }
0x190: {  	[tilespmem:s21+$0xA000] =	vst v0  }
0x191: {  	s22 =	simm.s32 $0x200;
	[tilespmem:s21+$0xA010] =	vst v0  }
.LBB2_13:
0x192: {  	p2 =	sne.s32 s22, $0x3E00;
	[tilespmem:s21+$0xE000] =	vst v0;
	s21 =	sshra.s32 s22, $0x2;
	s22 =	sadd.s32 $0x200, s22  }
.Ltmp10:
0x193: {  	[tilespmem:s21+$0xE010] =	vst v0;
	(pc) =	sbr.rel @p2 .LBB2_13-.Ltmp10, $4  }
0x194: {  	[tilespmem:s21+$0x6000] =	vst v0  }
0x195: {  	[tilespmem:s21+$0x6010] =	vst v0  }
0x196: {  	[tilespmem:s21+$0xA000] =	vst v0  }
0x197: {  	[tilespmem:s21+$0xA010] =	vst v0  }
0x198: {  	[tilespmem:s21+$0xE000] =	vst v0  }
.LBB2_15:
.Ltmp11:
0x199: {  	s22 =	simm.s32 $0x0;
	(pc) =	sbr.rel @p0 .LBB2_20-.Ltmp11, $4  }
0x19a: {  	[hbm4b:s9+s22] =	stream.linear.scatter [tilespmem:s13], [sflag:$0x5], $0xC000, $0x38;
	[tilespmem:$0x1C000] =	vst v63  }
0x19b: {  	_ =	swait.ge [sflag:s17], $0xC000  }
0x19c: {  	[sflag:s17] =	ssyncset.done $0x0  }
0x19d: {  	[sflag:s17] =	ssyncadd.s32 $0xFFFF4000  }
.Ltmp12:
0x19e: {  	(pc) =	sbr.rel @p1 .LBB2_25-.Ltmp12, $1  }
0x19f: {  	_ =	sdelay $0x3  }
0x1a0: {  	s21 =	sshra.s32 s22, $0x2  }
0x1a1: {  	[tilespmem:s21+$0x1A030] =	vst v0  }
0x1a2: {  	[tilespmem:s21+$0x12020] =	vst v0  }
0x1a3: {  	[tilespmem:s21+$0x12030] =	vst v0  }
0x1a4: {  	[tilespmem:s21+$0x16020] =	vst v0  }
0x1a5: {  	s22 =	sadd.s32 $0x200, s22;
	[tilespmem:s21+$0x16030] =	vst v0  }
.LBB2_18:
0x1a6: {  	p2 =	seq.s32 s22, $0x3E00;
	[tilespmem:s21+$0x1A020] =	vst v0;
	s21 =	sshra.s32 s22, $0x2;
	s22 =	sadd.s32 $0x200, s22  }
.Ltmp13:
0x1a7: {  	[tilespmem:s21+$0x1A030] =	vst v0;
	(pc) =	sbr.rel @!p2 .LBB2_18-.Ltmp13, $4  }
0x1a8: {  	[tilespmem:s21+$0x12020] =	vst v0  }
0x1a9: {  	[tilespmem:s21+$0x12030] =	vst v0  }
0x1aa: {  	[tilespmem:s21+$0x16020] =	vst v0  }
0x1ab: {  	[tilespmem:s21+$0x16030] =	vst v0  }
.Ltmp14:
0x1ac: {  	(pc) =	sbr.rel .LBB2_25-.Ltmp14, $2  }
0x1ad: {  	_ =	sdelay $0x2  }
0x1ae: {  	[tilespmem:s21+$0x1A020] =	vst v0  }
.LBB2_20:
0x1af: {  	s21 =	sshra.s32 s22, $0x2  }
0x1b0: {  	[tilespmem:s21+$0x19050] =	vst v0  }
0x1b1: {  	[tilespmem:s21+$0x11040] =	vst v0  }
0x1b2: {  	[tilespmem:s21+$0x11050] =	vst v0  }
0x1b3: {  	[tilespmem:s21+$0x15040] =	vst v0  }
0x1b4: {  	s22 =	sadd.s32 $0x200, s22;
	[tilespmem:s21+$0x15050] =	vst v0  }
.LBB2_21:
0x1b5: {  	p2 =	sne.s32 s22, $0x3E00;
	[tilespmem:s21+$0x19040] =	vst v0;
	s21 =	sshra.s32 s22, $0x2;
	s22 =	sadd.s32 $0x200, s22  }
.Ltmp15:
0x1b6: {  	[tilespmem:s21+$0x19050] =	vst v0;
	(pc) =	sbr.rel @p2 .LBB2_21-.Ltmp15, $4  }
0x1b7: {  	[tilespmem:s21+$0x11040] =	vst v0  }
0x1b8: {  	[tilespmem:s21+$0x11050] =	vst v0  }
0x1b9: {  	[tilespmem:s21+$0x15040] =	vst v0  }
0x1ba: {  	[tilespmem:s21+$0x15050] =	vst v0  }
0x1bb: {  	[tilespmem:s21+$0x19040] =	vst v0;
	s21 =	simm.s32 $0x0  }
0x1bc: {  	[tilespmem:s21+$0x1A010] =	vst v0  }
0x1bd: {  	[tilespmem:s21+$0x12000] =	vst v0  }
0x1be: {  	[tilespmem:s21+$0x12010] =	vst v0  }
0x1bf: {  	[tilespmem:s21+$0x16000] =	vst v0  }
0x1c0: {  	s22 =	simm.s32 $0x200;
	[tilespmem:s21+$0x16010] =	vst v0  }
.LBB2_23:
0x1c1: {  	p2 =	sne.s32 s22, $0x3E00;
	[tilespmem:s21+$0x1A000] =	vst v0;
	s21 =	sshra.s32 s22, $0x2;
	s22 =	sadd.s32 $0x200, s22  }
.Ltmp16:
0x1c2: {  	[tilespmem:s21+$0x1A010] =	vst v0;
	(pc) =	sbr.rel @p2 .LBB2_23-.Ltmp16, $4  }
0x1c3: {  	[tilespmem:s21+$0x12000] =	vst v0  }
0x1c4: {  	[tilespmem:s21+$0x12010] =	vst v0  }
0x1c5: {  	[tilespmem:s21+$0x16000] =	vst v0  }
0x1c6: {  	[tilespmem:s21+$0x16010] =	vst v0  }
0x1c7: {  	[tilespmem:s21+$0x1A000] =	vst v0  }
.LBB2_25:
.Ltmp17:
0x1c8: {  	(pc) =	sbr.rel @p0 .LBB2_28-.Ltmp17, $4  }
0x1c9: {  	[hbm4b:s10+s2] =	stream.linear.scatter [tilespmem:s14], [sflag:$0x6], $0xC000, $0x38;
	[tilespmem:$0x1C000] =	vst v63  }
0x1ca: {  	_ =	swait.ge [sflag:s3], $0x4000  }
0x1cb: {  	[sflag:s3] =	ssyncset.done $0x0  }
0x1cc: {  	[sflag:s3] =	ssyncadd.s32 $0xFFFFC000  }
.Ltmp18:
0x1cd: {  	(pc) =	sbr.rel @p1 .LBB2_29-.Ltmp18, $1  }
0x1ce: {  	_ =	sdelay $0x3  }
0x1cf: {  	[tilespmem:$0x2020] =	vst v0  }
0x1d0: {  	[tilespmem:$0x2030] =	vst v0  }
0x1d1: {  	[tilespmem:$0x20A0] =	vst v0  }
0x1d2: {  	[tilespmem:$0x20B0] =	vst v0  }
0x1d3: {  	[tilespmem:$0x2120] =	vst v0  }
0x1d4: {  	[tilespmem:$0x2130] =	vst v0  }
0x1d5: {  	[tilespmem:$0x21A0] =	vst v0  }
0x1d6: {  	[tilespmem:$0x21B0] =	vst v0  }
0x1d7: {  	[tilespmem:$0x2220] =	vst v0  }
0x1d8: {  	[tilespmem:$0x2230] =	vst v0  }
0x1d9: {  	[tilespmem:$0x22A0] =	vst v0  }
0x1da: {  	[tilespmem:$0x22B0] =	vst v0  }
0x1db: {  	[tilespmem:$0x2320] =	vst v0  }
0x1dc: {  	[tilespmem:$0x2330] =	vst v0  }
0x1dd: {  	[tilespmem:$0x23A0] =	vst v0  }
0x1de: {  	[tilespmem:$0x23B0] =	vst v0  }
0x1df: {  	[tilespmem:$0x2420] =	vst v0  }
0x1e0: {  	[tilespmem:$0x2430] =	vst v0  }
0x1e1: {  	[tilespmem:$0x24A0] =	vst v0  }
0x1e2: {  	[tilespmem:$0x24B0] =	vst v0  }
0x1e3: {  	[tilespmem:$0x2520] =	vst v0  }
0x1e4: {  	[tilespmem:$0x2530] =	vst v0  }
0x1e5: {  	[tilespmem:$0x25A0] =	vst v0  }
0x1e6: {  	[tilespmem:$0x25B0] =	vst v0  }
0x1e7: {  	[tilespmem:$0x2620] =	vst v0  }
0x1e8: {  	[tilespmem:$0x2630] =	vst v0  }
0x1e9: {  	[tilespmem:$0x26A0] =	vst v0  }
0x1ea: {  	[tilespmem:$0x26B0] =	vst v0  }
0x1eb: {  	[tilespmem:$0x2720] =	vst v0  }
0x1ec: {  	[tilespmem:$0x2730] =	vst v0  }
0x1ed: {  	[tilespmem:$0x27A0] =	vst v0  }
0x1ee: {  	[tilespmem:$0x27B0] =	vst v0  }
0x1ef: {  	[tilespmem:$0x2820] =	vst v0  }
0x1f0: {  	[tilespmem:$0x2830] =	vst v0  }
0x1f1: {  	[tilespmem:$0x28A0] =	vst v0  }
0x1f2: {  	[tilespmem:$0x28B0] =	vst v0  }
0x1f3: {  	[tilespmem:$0x2920] =	vst v0  }
0x1f4: {  	[tilespmem:$0x2930] =	vst v0  }
0x1f5: {  	[tilespmem:$0x29A0] =	vst v0  }
0x1f6: {  	[tilespmem:$0x29B0] =	vst v0  }
0x1f7: {  	[tilespmem:$0x2A20] =	vst v0  }
0x1f8: {  	[tilespmem:$0x2A30] =	vst v0  }
0x1f9: {  	[tilespmem:$0x2AA0] =	vst v0  }
0x1fa: {  	[tilespmem:$0x2AB0] =	vst v0  }
0x1fb: {  	[tilespmem:$0x2B20] =	vst v0  }
0x1fc: {  	[tilespmem:$0x2B30] =	vst v0  }
0x1fd: {  	[tilespmem:$0x2BA0] =	vst v0  }
0x1fe: {  	[tilespmem:$0x2BB0] =	vst v0  }
0x1ff: {  	[tilespmem:$0x2C20] =	vst v0  }
0x200: {  	[tilespmem:$0x2C30] =	vst v0  }
0x201: {  	[tilespmem:$0x2CA0] =	vst v0  }
0x202: {  	[tilespmem:$0x2CB0] =	vst v0  }
0x203: {  	[tilespmem:$0x2D20] =	vst v0  }
0x204: {  	[tilespmem:$0x2D30] =	vst v0  }
0x205: {  	[tilespmem:$0x2DA0] =	vst v0  }
0x206: {  	[tilespmem:$0x2DB0] =	vst v0  }
0x207: {  	[tilespmem:$0x2E20] =	vst v0  }
0x208: {  	[tilespmem:$0x2E30] =	vst v0  }
0x209: {  	[tilespmem:$0x2EA0] =	vst v0  }
.Ltmp19:
0x20a: {  	[tilespmem:$0x2EB0] =	vst v0;
	(pc) =	sbr.rel .LBB2_29-.Ltmp19, $4  }
0x20b: {  	[tilespmem:$0x2F20] =	vst v0  }
0x20c: {  	[tilespmem:$0x2F30] =	vst v0  }
0x20d: {  	[tilespmem:$0x2FA0] =	vst v0  }
0x20e: {  	[tilespmem:$0x2FB0] =	vst v0  }
.LBB2_30:
0x20f: {  	_ =	sfence.sel $0x180000  }
0x210: {  	[bflag:$0x0] =	sbarrier.arrive $0xFFFF  }
0x211: {  	p0 =	sne.s32 s1, $0x0;
	_ =	strace $0x90000047  }
0x212: {  	s0 =	sadd.s32 @!p0 $0x100000, s0;
	[bflag:$0x2] =	sbarrier.arrive $0xFFFF  }
0x213: {  	[sflag:s0] =	ssyncadd.tile.s32 @!p0 $0x1;
	_ =	shalt  }
.Lfunc_end2:
_tile_overlayer_lowered:
.L_overlay_start_2:
0x214: {  	(tag) =	ssettag $0x2  }
0x215: {  	s0 =	rddreg [dreg:$0x0];
	s2 =	stileid.u32  }
0x216: {  	s1 =	rddreg [dreg:$0x1];
	p0 =	sne.s32 s2, $0x0  }
0x217: {  	s3 =	rddreg [dreg:$0x2];
	[bflag:$0x3] =	sbarrier.arrive $0xFFFF;
	s2 =	simm.s32 @!p0 $0x1C07  }
0x218: {  	[timem:s3], [sflag:s2] =	dma.local @!p0 [hbm:s0], s1  }
0x219: {  	s0 =	simm.s32 @!p0 $0x7  }
0x21a: {  	_ =	swait.ge @!p0 [sflag:s0], s1  }
0x21b: {  	s1 =	ssub.s32 @!p0 $0x0, s1;
	[sflag:s0] =	ssyncset.done @!p0 $0x0  }
0x21c: {  	[sflag:s0] =	ssyncadd.s32 @!p0 s1  }
0x21d: {  	[bflag:$0x3] =	sbarrier.arrive $0xFFFF  }
0x21e: {  	_ =	shalt  }

</sc_bundles>
